<compile_context>
chip_gen: v7x
topology: tpu7x:2x2x1
jax: 0.10.2.dev20260603
libtpu: 0.0.44.dev20260713+nightly
codegen_flags: <defaults>
</compile_context>

<pallas_src>
import functools

import jax
import jax.numpy as jnp
from jax import lax
from jax.experimental import pallas as pl
from jax.experimental.pallas import tpu as pltpu
from jax.experimental.pallas import tpu_sc as plsc

EPS = 1e-7
ANCH = ((0.05, 0.07), (0.10, 0.14), (0.20, 0.28))
NPAD = 128
GPW = 8


def _f_no(t):
    p = jnp.clip(jax.nn.sigmoid(t), EPS, 1.0 - EPS)
    return -jnp.log(1.0 - p)


def _f_obj(t):
    p = jnp.clip(jax.nn.sigmoid(t), EPS, 1.0 - EPS)
    return -jnp.log(p)


def _make_sc_gather(nb, nc, nh, nw):
    mesh = plsc.VectorSubcoreMesh(core_axis_name="c", subcore_axis_name="s",
                                  num_cores=1)

    @functools.partial(
        pl.kernel,
        mesh=mesh,
        compiler_params=pltpu.CompilerParams(
            use_tc_tiling_on_sc=True, needs_layout_passes=False,
            skip_device_barrier=True, disable_bounds_checks=True,
            disable_semaphore_checks=True),
        out_type=jax.ShapeDtypeStruct((NPAD, 1, nc), jnp.float32),
        scratch_types=[
            pltpu.VMEM((GPW * 8,), jnp.float32),
            pltpu.VMEM((GPW, 1, nc), jnp.float32),
            pltpu.SemaphoreType.DMA,
        ],
    )
    def sc_gather(table_hbm, gts_hbm, compact_hbm, gts_v, row_v, sem):
        wid = lax.axis_index("s") + lax.axis_index("c")
        g0 = wid * GPW
        pltpu.sync_copy(gts_hbm.at[pl.ds(g0 * 8, GPW * 8)], gts_v)
        gvecs = [gts_v[pl.ds(16 * k, 16)] for k in range(GPW * 8 // 16)]

        def fld(s, j):
            n = s * 8 + j
            return gvecs[n // 16][n % 16]

        copies = []
        for s in range(GPW):
            bi = fld(s, 0).astype(jnp.int32)
            gi = (fld(s, 2) * nw).astype(jnp.int32)
            gj = (fld(s, 3) * nh).astype(jnp.int32)
            cell = gj * nw + gi
            copies.append(pltpu.async_copy(
                table_hbm.at[pl.ds(cell, 1), pl.ds(bi, 1)],
                row_v.at[pl.ds(s, 1)], sem))
        for cp in copies:
            cp.wait()
        pltpu.sync_copy(row_v, compact_hbm.at[pl.ds(g0, GPW)])

    return sc_gather


def _meta(b, labf, gx, gy, gw, gh, iota, nh, nw, ngt):
    bi = b.astype(jnp.int32)
    lab = labf.astype(jnp.int32)
    ious = []
    for aw, ah in ANCH:
        inter = jnp.minimum(gw, aw) * jnp.minimum(gh, ah)
        union = gw * gh + aw * ah - inter + 1e-16
        ious.append(inter / union)
    best = jnp.where((ious[0] >= ious[1]) & (ious[0] >= ious[2]), 0,
                     jnp.where(ious[1] >= ious[2], 1, 2)).astype(jnp.int32)
    ign = [iou > 0.5 for iou in ious]
    gi = (gx * nw).astype(jnp.int32)
    gj = (gy * nh).astype(jnp.int32)
    valid = iota < ngt
    key3 = (bi * nh + gj) * nw + gi
    key4 = ((bi * 3 + best) * nh + gj) * nw + gi
    return dict(lab=lab, best=best, ign=ign, gi=gi, gj=gj, valid=valid,
                key3=key3, key4=key4, gx=gx, gy=gy, gw=gw, gh=gh)


def _tc_dense_body(nb, nc, rows_per, nsteps, out3_ref, out_ref, acc_ref):
    t = pl.program_id(0)
    nch = nc // 3

    @pl.when(t == 0)
    def _init():
        acc_ref[0] = 0.0

    x = out3_ref[...].reshape(rows_per * nb, nc)
    lane = lax.broadcasted_iota(jnp.int32, (nc, 8), 0)
    col = lax.broadcasted_iota(jnp.int32, (nc, 8), 1)
    onehot = ((lane == col * nch + 4) & (col < 3)).astype(jnp.float32)
    y = jnp.dot(x, onehot, preferred_element_type=jnp.float32)
    keep = lax.broadcasted_iota(jnp.int32, (1, 8), 1) < 3
    acc_ref[0] += jnp.sum(jnp.where(keep, _f_no(y), 0.0))

    @pl.when(t == nsteps - 1)
    def _out():
        out_ref[...] = jnp.broadcast_to(acc_ref[0], (1, 1))


def _make_tc_dense(nb, nc, nh, nw, interpret=False):
    nsteps = 4
    rows_per = nh * nw // nsteps
    body = functools.partial(_tc_dense_body, nb, nc, rows_per, nsteps)
    return pl.pallas_call(
        body,
        grid=(nsteps,),
        in_specs=[pl.BlockSpec((rows_per, nb, nc), lambda t: (t, 0, 0))],
        out_specs=pl.BlockSpec((1, 1), lambda t: (0, 0)),
        out_shape=jax.ShapeDtypeStruct((1, 1), jnp.float32),
        scratch_shapes=[pltpu.SMEM((1,), jnp.float32)],
        interpret=interpret,
    )


def _tc_final_body(nb, nc, nh, nw, ngt, acc_ref2, rows_ref, gts_ref,
                   gtsT_ref, out_ref):
    nch = nc // 3
    if True:
        iota_c = lax.broadcasted_iota(jnp.int32, (NPAD, 1), 0)
        iota_r = lax.broadcasted_iota(jnp.int32, (1, NPAD), 1)
        mc = _meta(gts_ref[:, 0:1], gts_ref[:, 1:2], gts_ref[:, 2:3],
                   gts_ref[:, 3:4], gts_ref[:, 4:5], gts_ref[:, 5:6],
                   iota_c, nh, nw, ngt)
        mr = _meta(gtsT_ref[0:1, :], gtsT_ref[1:2, :], gtsT_ref[2:3, :],
                   gtsT_ref[3:4, :], gtsT_ref[4:5, :], gtsT_ref[5:6, :],
                   iota_r, nh, nw, ngt)
        jgt = iota_r > iota_c
        eq4 = (mc["key4"] == mr["key4"]) & jgt & mr["valid"]
        winner = mc["valid"] & jnp.logical_not(
            jnp.any(eq4, axis=1, keepdims=True))
        labeq = mc["lab"] == mr["lab"]
        lw = mc["valid"] & jnp.logical_not(
            jnp.any(eq4 & labeq, axis=1, keepdims=True))
        eq3 = (mc["key3"] == mr["key3"]) & jgt & mr["valid"]
        n_excl = 0.0
        s_corr = 0.0
        for a in range(3):
            m_c = mc["valid"] & (mc["ign"][a] | (mc["best"] == a))
            m_r = mr["valid"] & (mr["ign"][a] | (mr["best"] == a))
            canon = m_c & jnp.logical_not(
                jnp.any(eq3 & m_r, axis=1, keepdims=True))
            n_excl = n_excl + jnp.sum(canon.astype(jnp.float32))
            conf_a = rows_ref[:, a * nch + 4:a * nch + 5]
            s_corr = s_corr + jnp.sum(jnp.where(canon, _f_no(conf_a), 0.0))
        wn = winner.astype(jnp.float32)
        n_obj = jnp.maximum(jnp.sum(wn), 1.0)
        n_noobj = jnp.maximum(nb * 3.0 * nh * nw - n_excl, 1.0)
        loss_conf_noobj = 100.0 * (acc_ref2[0, 0] - s_corr) / n_noobj

        def sel3(s0, s1, s2):
            return jnp.where(mc["best"] == 0, s0,
                             jnp.where(mc["best"] == 1, s1, s2))

        def chan(off):
            return sel3(rows_ref[:, off:off + 1],
                        rows_ref[:, nch + off:nch + off + 1],
                        rows_ref[:, 2 * nch + off:2 * nch + off + 1])

        cx = chan(0)
        cy = chan(1)
        cw = chan(2)
        chh = chan(3)
        cconf = chan(4)
        tx = mc["gx"] * nw - jnp.floor(mc["gx"] * nw)
        ty = mc["gy"] * nh - jnp.floor(mc["gy"] * nh)
        aw_b = jnp.where(mc["best"] == 0, ANCH[0][0],
                         jnp.where(mc["best"] == 1, ANCH[1][0], ANCH[2][0]))
        ah_b = jnp.where(mc["best"] == 0, ANCH[0][1],
                         jnp.where(mc["best"] == 1, ANCH[1][1], ANCH[2][1]))
        safe_w = jnp.where(winner, mc["gw"] / aw_b, 1.0)
        safe_h = jnp.where(winner, mc["gh"] / ah_b, 1.0)
        loss_x = jnp.sum(wn * (jax.nn.sigmoid(cx) - tx) ** 2) / n_obj
        loss_y = jnp.sum(wn * (jax.nn.sigmoid(cy) - ty) ** 2) / n_obj
        loss_w = jnp.sum(wn * (cw - jnp.log(safe_w)) ** 2) / n_obj
        loss_h = jnp.sum(wn * (chh - jnp.log(safe_h)) ** 2) / n_obj
        loss_conf_obj = jnp.sum(wn * _f_obj(cconf)) / n_obj
        cls = sel3(rows_ref[:, 5:85],
                   rows_ref[:, nch + 5:nch + 85],
                   rows_ref[:, 2 * nch + 5:2 * nch + 85])
        base = jnp.sum(wn * jnp.sum(_f_no(cls), axis=1, keepdims=True))
        onehot = lax.broadcasted_iota(jnp.int32, (1, 80), 1) == mc["lab"]
        pick = jnp.sum(jnp.where(onehot, cls, 0.0), axis=1, keepdims=True)
        lterm = jnp.sum(jnp.where(lw, _f_obj(pick) - _f_no(pick), 0.0))
        loss_cls = (base + lterm) / (n_obj * 80.0)
        total = (loss_x + loss_y + loss_w + loss_h + loss_conf_obj
                 + loss_conf_noobj + loss_cls)
        out_ref[...] = jnp.broadcast_to(total, (1, 1))


def _make_tc_final(nb, nc, nh, nw, ngt, interpret=False):
    body = functools.partial(_tc_final_body, nb, nc, nh, nw, ngt)
    return pl.pallas_call(
        body,
        grid=(1,),
        in_specs=[
            pl.BlockSpec(memory_space=pltpu.SMEM),
            pl.BlockSpec((NPAD, nc), lambda t: (0, 0)),
            pl.BlockSpec((NPAD, 8), lambda t: (0, 0)),
            pl.BlockSpec((8, NPAD), lambda t: (0, 0)),
        ],
        out_specs=pl.BlockSpec((1, 1), lambda t: (0, 0)),
        out_shape=jax.ShapeDtypeStruct((1, 1), jnp.float32),
        interpret=interpret,
    )


def kernel(out, gts):
    nb, nc, nh, nw = out.shape
    ngt = gts.shape[0]
    gts6 = jnp.zeros((NPAD, 8), jnp.float32).at[:ngt, :6].set(gts)
    gtsT = jnp.zeros((8, NPAD), jnp.float32).at[:6, :ngt].set(gts.T)
    out3 = jnp.transpose(out, (2, 3, 0, 1)).reshape(nh * nw, nb, nc)
    compact = _make_sc_gather(nb, nc, nh, nw)(out3, gts6.reshape(-1))
    acc = _make_tc_dense(nb, nc, nh, nw)(out3)
    tot = _make_tc_final(nb, nc, nh, nw, ngt)(
        acc, compact.reshape(NPAD, nc), gts6, gtsT)
    return tot.reshape(())

# --- scband reference (transcript-rebuilt; emitter-appended) ---
"""Pipeline reference for scband-yololossv3-51187420234317 (READ-ONLY COPY).

The authoritative reference and input builder live on the scoring server;
editing this copy changes nothing except your own understanding.
"""

import jax, jax.numpy as jnp
import numpy as np

CLS_NUM = 80
NUM_ANCHORS = 3
ANCHORS = np.array([[0.05, 0.07], [0.10, 0.14], [0.20, 0.28]], dtype=np.float32)
OBJ_SCALE = 1.0
NOOBJ_SCALE = 100.0
IGNORE_THRES = 0.5
EPS = 1e-7


def iou_wo_center(w1, h1, w2, h2):
    inter = jnp.minimum(w1, w2) * jnp.minimum(h1, h2)
    union = w1 * h1 + w2 * h2 - inter + 1e-16
    return inter / union


def bce(p, t):
    p = jnp.clip(p, EPS, 1.0 - EPS)
    return -(t * jnp.log(p) + (1.0 - t) * jnp.log(1.0 - p))


def setup_inputs(seed: int = 0):
    key = jax.random.key(seed)
    k1, k2, k3, k4, k5 = jax.random.split(key, 5)
    nb, nh, nw = 16, 52, 52
    nc = NUM_ANCHORS * (CLS_NUM + 5)
    out = jax.random.normal(k1, (nb, nc, nh, nw), dtype=jnp.float32) * 0.1
    ngt = 120
    b = jax.random.randint(k2, (ngt,), 0, nb).astype(jnp.float32)
    lab = jax.random.randint(k3, (ngt,), 0, CLS_NUM).astype(jnp.float32)
    xy = jax.random.uniform(k4, (ngt, 2), minval=0.05, maxval=0.95, dtype=jnp.float32)
    wh = jax.random.uniform(k5, (ngt, 2), minval=0.02, maxval=0.30, dtype=jnp.float32)
    gts = jnp.concatenate([b[:, None], lab[:, None], xy, wh], axis=1)
    return {"out": out, "gts": gts}


def _forward(out, gts):
    nb, nc, nh, nw = out.shape
    nA, nC = NUM_ANCHORS, CLS_NUM
    pred = out.reshape(nb, nA, nC + 5, nh, nw).transpose(0, 1, 3, 4, 2)
    xs = jax.nn.sigmoid(pred[..., 0])
    ys = jax.nn.sigmoid(pred[..., 1])
    ws = pred[..., 2]
    hs = pred[..., 3]
    conf = jax.nn.sigmoid(pred[..., 4])
    cls_score = jax.nn.sigmoid(pred[..., 5:])
    anchors_w = jnp.asarray(ANCHORS[:, 0]).reshape(1, nA, 1, 1)
    anchors_h = jnp.asarray(ANCHORS[:, 1]).reshape(1, nA, 1, 1)
    grid_x, grid_y = jnp.meshgrid(jnp.arange(nw, dtype=jnp.float32), jnp.arange(nh, dtype=jnp.float32))
    pd_bboxes = jnp.stack([
        (xs + grid_x) / nw,
        (ys + grid_y) / nh,
        jnp.exp(ws) * anchors_w,
        jnp.exp(hs) * anchors_h,
    ], axis=-1)
    # build_target
    gt_boxes = gts[:, 2:]
    gws = gt_boxes[:, 2]
    ghs = gt_boxes[:, 3]
    ious = jnp.stack([iou_wo_center(gws, ghs, float(aw), float(ah)) for aw, ah in ANCHORS])
    best_n = jnp.argmax(ious, axis=0)
    batch = gts[:, 0].astype(jnp.int32)
    gt_labels = gts[:, 1].astype(jnp.int32)
    gxs = gt_boxes[:, 0]
    gys = gt_boxes[:, 1]
    gis = (nw * gxs).astype(jnp.int32)
    gjs = (nh * gys).astype(jnp.int32)
    obj_mask = jnp.zeros((nb, nA, nh, nw), dtype=bool).at[batch, best_n, gjs, gis].set(True)
    noobj_mask = jnp.ones((nb, nA, nh, nw), dtype=bool).at[batch, best_n, gjs, gis].set(False)
    ngt = gts.shape[0]
    ign = (ious.T > IGNORE_THRES).astype(jnp.int32)
    b_rep = jnp.repeat(batch, nA)
    a_rep = jnp.tile(jnp.arange(nA, dtype=jnp.int32), ngt)
    j_rep = jnp.repeat(gjs, nA)
    i_rep = jnp.repeat(gis, nA)
    clear = jnp.zeros((nb, nA, nh, nw), dtype=jnp.int32).at[b_rep, a_rep, j_rep, i_rep].add(ign.reshape(-1))
    noobj_mask = noobj_mask & (clear == 0)
    tbboxes = jnp.zeros((nb, nA, nh, nw, 4), dtype=jnp.float32).at[batch, best_n, gjs, gis].set(
        jnp.stack([gxs, gys, gws, ghs], axis=1))
    tcls = jnp.zeros((nb, nA, nh, nw, nC), dtype=jnp.float32).at[batch, best_n, gjs, gis, gt_labels].set(1.0)
    tconf = obj_mask.astype(jnp.float32)
    m = obj_mask.astype(jnp.float32)
    nm = noobj_mask.astype(jnp.float32)
    n_obj = jnp.maximum(jnp.sum(m), 1.0)
    n_noobj = jnp.maximum(jnp.sum(nm), 1.0)
    # bbox loss (masked-mean MSE, equivalent to torch mse_loss on boolean-selected elems)
    tb0 = tbboxes[..., 0] * nw
    tb1 = tbboxes[..., 1] * nh
    txs = tb0 - jnp.floor(tb0)
    tys = tb1 - jnp.floor(tb1)
    tws = tbboxes[..., 2] / anchors_w
    ths = tbboxes[..., 3] / anchors_h
    safe_tws = jnp.where(obj_mask, tws, 1.0)
    safe_ths = jnp.where(obj_mask, ths, 1.0)
    loss_x = jnp.sum(m * (xs - txs) ** 2) / n_obj
    loss_y = jnp.sum(m * (ys - tys) ** 2) / n_obj
    loss_w = jnp.sum(m * (ws - jnp.log(safe_tws)) ** 2) / n_obj
    loss_h = jnp.sum(m * (hs - jnp.log(safe_ths)) ** 2) / n_obj
    loss_reg = loss_x + loss_y + loss_w + loss_h
    # objectness loss
    loss_conf_obj = OBJ_SCALE * jnp.sum(m * bce(conf, tconf)) / n_obj
    loss_conf_noobj = NOOBJ_SCALE * jnp.sum(nm * bce(conf, tconf)) / n_noobj
    loss_conf = loss_conf_noobj + loss_conf_obj
    # class loss
    loss_cls = jnp.sum(m[..., None] * bce(cls_score, tcls)) / (n_obj * nC)
    total = loss_reg + loss_conf + loss_cls
    return total


def reference(out, gts):
    return _forward(out, gts)

if __name__ == "__main__":
    import jax
    _d = setup_inputs()
    print(jax.jit(kernel)(*tuple(_d.values())))

</pallas_src>

<mosaic_0001>
#map = affine_map<(d0, d1) -> (0, 0, 0)>
#map1 = affine_map<(d0, d1) -> (0)>
module attributes {stable_mosaic.version = 14 : i64} {
  func.func @sc_gather(%arg0: i32, %arg1: i32, %arg2: memref<2704x16x255xf32, #tpu.memory_space<hbm>>, %arg3: memref<1024xf32, #tpu.memory_space<hbm>>, %arg4: memref<128x1x255xf32, #tpu.memory_space<hbm>>, %arg5: memref<64xf32, #tpu.memory_space<vmem>>, %arg6: memref<8x1x255xf32, #tpu.memory_space<vmem>>, %arg7: memref<!tpu.dma_semaphore, #tpu.memory_space<semaphore_mem>>) attributes {dimension_semantics = [#tpu.dimension_semantics<core_parallel>, #tpu.dimension_semantics<subcore_parallel>], iteration_bounds = array<i64: 1, 16>, scalar_prefetch = 0 : i64, scratch_operands = 3 : i64, tpu.core_type = #tpu.core_type<sc_vector_subcore>, window_params = [{transform_indices = #map}, {transform_indices = #map1}, {transform_indices = #map}]} {
    %add3A = arith.addi %arg1, %arg0 : i32
    %mul3A = arith.constant 8 : i32
    %mul3A_0 = arith.muli %add3A, %mul3A : i32
    %mul3A_1 = arith.constant 8 : i32
    %mul3A_2 = arith.muli %mul3A_0, %mul3A_1 : i32
    "tpu.region"() ({
      %run_scoped3A = tpu.sem_alloc : memref<!tpu.dma_semaphore, #tpu.memory_space<semaphore_mem>>
      %dma_start3A_325 = tpu.memref_slice %arg3[%mul3A_2] : memref<1024xf32, #tpu.memory_space<hbm>> -> memref<64xf32, #tpu.memory_space<hbm>>
      %dma_start3A_326 = tpu.memref_slice %arg3[%mul3A_2] : memref<1024xf32, #tpu.memory_space<hbm>> -> memref<64xf32, #tpu.memory_space<hbm>>
      tpu.enqueue_dma source(%dma_start3A_326 : memref<64xf32, #tpu.memory_space<hbm>>) target(%arg5 : memref<64xf32, #tpu.memory_space<vmem>>) target_semaphore(%run_scoped3A : memref<!tpu.dma_semaphore, #tpu.memory_space<semaphore_mem>>)
      %dma_wait3A_327 = tpu.memref_slice %arg3[%mul3A_2] : memref<1024xf32, #tpu.memory_space<hbm>> -> memref<64xf32, #tpu.memory_space<hbm>>
      %dma_wait3A_328 = tpu.memref_slice %arg3[%mul3A_2] : memref<1024xf32, #tpu.memory_space<hbm>> -> memref<64xf32, #tpu.memory_space<hbm>>
      tpu.wait_dma2 semaphore(%run_scoped3A : memref<!tpu.dma_semaphore, #tpu.memory_space<semaphore_mem>>) src(%dma_wait3A_328 : memref<64xf32, #tpu.memory_space<hbm>>) dst(%arg5 : memref<64xf32, #tpu.memory_space<vmem>>)
      tpu.yield
    }) : () -> ()
    %get3A = arith.constant 0 : index
    %get3A_3 = tpu.vector_load %arg5[%get3A] {strides = array<i32>} : memref<64xf32, #tpu.memory_space<vmem>>, vector<16xf32>,
    %get3A_4 = arith.constant 16 : index
    %get3A_5 = tpu.vector_load %arg5[%get3A_4] {strides = array<i32>} : memref<64xf32, #tpu.memory_space<vmem>>, vector<16xf32>,
    %get3A_6 = arith.constant 32 : index
    %get3A_7 = tpu.vector_load %arg5[%get3A_6] {strides = array<i32>} : memref<64xf32, #tpu.memory_space<vmem>>, vector<16xf32>,
    %get3A_8 = arith.constant 48 : index
    %get3A_9 = tpu.vector_load %arg5[%get3A_8] {strides = array<i32>} : memref<64xf32, #tpu.memory_space<vmem>>, vector<16xf32>,
    %slice3A = vector.extract_strided_slice %get3A_3 {offsets = [0], sizes = [1], strides = [1]} : vector<16xf32> to vector<1xf32>
    %squeeze3A = vector.extract %slice3A[0] : f32 from vector<1xf32>
    %convert_element_type3A = arith.fptosi %squeeze3A : f32 to i32
    %slice3A_10 = vector.extract_strided_slice %get3A_3 {offsets = [2], sizes = [1], strides = [1]} : vector<16xf32> to vector<1xf32>
    %squeeze3A_11 = vector.extract %slice3A_10[0] : f32 from vector<1xf32>
    %mul3A_12 = arith.constant 5.200000e+01 : f32
    %mul3A_13 = arith.mulf %squeeze3A_11, %mul3A_12 : f32
    %convert_element_type3A_14 = arith.fptosi %mul3A_13 : f32 to i32
    %slice3A_15 = vector.extract_strided_slice %get3A_3 {offsets = [3], sizes = [1], strides = [1]} : vector<16xf32> to vector<1xf32>
    %squeeze3A_16 = vector.extract %slice3A_15[0] : f32 from vector<1xf32>
    %mul3A_17 = arith.constant 5.200000e+01 : f32
    %mul3A_18 = arith.mulf %squeeze3A_16, %mul3A_17 : f32
    %convert_element_type3A_19 = arith.fptosi %mul3A_18 : f32 to i32
    %mul3A_20 = arith.constant 52 : i32
    %mul3A_21 = arith.muli %convert_element_type3A_19, %mul3A_20 : i32
    %add3A_22 = arith.addi %mul3A_21, %convert_element_type3A_14 : i32
    %dma_start3A = arith.constant 0 : i32
    %dma_start3A_23 = arith.constant 0 : i32
    %dma_start3A_24 = arith.constant 0 : i32
    %dma_start3A_25 = tpu.memref_slice %arg6[%dma_start3A, %dma_start3A_23, %dma_start3A_24] : memref<8x1x255xf32, #tpu.memory_space<vmem>> -> memref<1x1x255xf32, #tpu.memory_space<vmem>>
    %dma_start3A_26 = arith.constant 0 : i32
    %dma_start3A_27 = tpu.memref_slice %arg2[%add3A_22, %convert_element_type3A, %dma_start3A_26] : memref<2704x16x255xf32, #tpu.memory_space<hbm>> -> memref<1x1x255xf32, #tpu.memory_space<hbm>>
    %dma_start3A_28 = arith.constant 0 : i32
    %dma_start3A_29 = arith.constant 0 : i32
    %dma_start3A_30 = arith.constant 0 : i32
    %dma_start3A_31 = tpu.memref_slice %arg6[%dma_start3A_28, %dma_start3A_29, %dma_start3A_30] : memref<8x1x255xf32, #tpu.memory_space<vmem>> -> memref<1x1x255xf32, #tpu.memory_space<vmem>>
    %dma_start3A_32 = arith.constant 0 : i32
    %dma_start3A_33 = tpu.memref_slice %arg2[%add3A_22, %convert_element_type3A, %dma_start3A_32] : memref<2704x16x255xf32, #tpu.memory_space<hbm>> -> memref<1x1x255xf32, #tpu.memory_space<hbm>>
    tpu.enqueue_dma source(%dma_start3A_33 : memref<1x1x255xf32, #tpu.memory_space<hbm>>) target(%dma_start3A_31 : memref<1x1x255xf32, #tpu.memory_space<vmem>>) target_semaphore(%arg7 : memref<!tpu.dma_semaphore, #tpu.memory_space<semaphore_mem>>)
    %slice3A_34 = vector.extract_strided_slice %get3A_3 {offsets = [8], sizes = [1], strides = [1]} : vector<16xf32> to vector<1xf32>
    %squeeze3A_35 = vector.extract %slice3A_34[0] : f32 from vector<1xf32>
    %convert_element_type3A_36 = arith.fptosi %squeeze3A_35 : f32 to i32
    %slice3A_37 = vector.extract_strided_slice %get3A_3 {offsets = [10], sizes = [1], strides = [1]} : vector<16xf32> to vector<1xf32>
    %squeeze3A_38 = vector.extract %slice3A_37[0] : f32 from vector<1xf32>
    %mul3A_39 = arith.constant 5.200000e+01 : f32
    %mul3A_40 = arith.mulf %squeeze3A_38, %mul3A_39 : f32
    %convert_element_type3A_41 = arith.fptosi %mul3A_40 : f32 to i32
    %slice3A_42 = vector.extract_strided_slice %get3A_3 {offsets = [11], sizes = [1], strides = [1]} : vector<16xf32> to vector<1xf32>
    %squeeze3A_43 = vector.extract %slice3A_42[0] : f32 from vector<1xf32>
    %mul3A_44 = arith.constant 5.200000e+01 : f32
    %mul3A_45 = arith.mulf %squeeze3A_43, %mul3A_44 : f32
    %convert_element_type3A_46 = arith.fptosi %mul3A_45 : f32 to i32
    %mul3A_47 = arith.constant 52 : i32
    %mul3A_48 = arith.muli %convert_element_type3A_46, %mul3A_47 : i32
    %add3A_49 = arith.addi %mul3A_48, %convert_element_type3A_41 : i32
    %dma_start3A_50 = arith.constant 1 : i32
    %dma_start3A_51 = arith.constant 0 : i32
    %dma_start3A_52 = arith.constant 0 : i32
    %dma_start3A_53 = tpu.memref_slice %arg6[%dma_start3A_50, %dma_start3A_51, %dma_start3A_52] : memref<8x1x255xf32, #tpu.memory_space<vmem>> -> memref<1x1x255xf32, #tpu.memory_space<vmem>>
    %dma_start3A_54 = arith.constant 0 : i32
    %dma_start3A_55 = tpu.memref_slice %arg2[%add3A_49, %convert_element_type3A_36, %dma_start3A_54] : memref<2704x16x255xf32, #tpu.memory_space<hbm>> -> memref<1x1x255xf32, #tpu.memory_space<hbm>>
    %dma_start3A_56 = arith.constant 1 : i32
    %dma_start3A_57 = arith.constant 0 : i32
    %dma_start3A_58 = arith.constant 0 : i32
    %dma_start3A_59 = tpu.memref_slice %arg6[%dma_start3A_56, %dma_start3A_57, %dma_start3A_58] : memref<8x1x255xf32, #tpu.memory_space<vmem>> -> memref<1x1x255xf32, #tpu.memory_space<vmem>>
    %dma_start3A_60 = arith.constant 0 : i32
    %dma_start3A_61 = tpu.memref_slice %arg2[%add3A_49, %convert_element_type3A_36, %dma_start3A_60] : memref<2704x16x255xf32, #tpu.memory_space<hbm>> -> memref<1x1x255xf32, #tpu.memory_space<hbm>>
    tpu.enqueue_dma source(%dma_start3A_61 : memref<1x1x255xf32, #tpu.memory_space<hbm>>) target(%dma_start3A_59 : memref<1x1x255xf32, #tpu.memory_space<vmem>>) target_semaphore(%arg7 : memref<!tpu.dma_semaphore, #tpu.memory_space<semaphore_mem>>)
    %slice3A_62 = vector.extract_strided_slice %get3A_5 {offsets = [0], sizes = [1], strides = [1]} : vector<16xf32> to vector<1xf32>
    %squeeze3A_63 = vector.extract %slice3A_62[0] : f32 from vector<1xf32>
    %convert_element_type3A_64 = arith.fptosi %squeeze3A_63 : f32 to i32
    %slice3A_65 = vector.extract_strided_slice %get3A_5 {offsets = [2], sizes = [1], strides = [1]} : vector<16xf32> to vector<1xf32>
    %squeeze3A_66 = vector.extract %slice3A_65[0] : f32 from vector<1xf32>
    %mul3A_67 = arith.constant 5.200000e+01 : f32
    %mul3A_68 = arith.mulf %squeeze3A_66, %mul3A_67 : f32
    %convert_element_type3A_69 = arith.fptosi %mul3A_68 : f32 to i32
    %slice3A_70 = vector.extract_strided_slice %get3A_5 {offsets = [3], sizes = [1], strides = [1]} : vector<16xf32> to vector<1xf32>
    %squeeze3A_71 = vector.extract %slice3A_70[0] : f32 from vector<1xf32>
    %mul3A_72 = arith.constant 5.200000e+01 : f32
    %mul3A_73 = arith.mulf %squeeze3A_71, %mul3A_72 : f32
    %convert_element_type3A_74 = arith.fptosi %mul3A_73 : f32 to i32
    %mul3A_75 = arith.constant 52 : i32
    %mul3A_76 = arith.muli %convert_element_type3A_74, %mul3A_75 : i32
    %add3A_77 = arith.addi %mul3A_76, %convert_element_type3A_69 : i32
    %dma_start3A_78 = arith.constant 2 : i32
    %dma_start3A_79 = arith.constant 0 : i32
    %dma_start3A_80 = arith.constant 0 : i32
    %dma_start3A_81 = tpu.memref_slice %arg6[%dma_start3A_78, %dma_start3A_79, %dma_start3A_80] : memref<8x1x255xf32, #tpu.memory_space<vmem>> -> memref<1x1x255xf32, #tpu.memory_space<vmem>>
    %dma_start3A_82 = arith.constant 0 : i32
    %dma_start3A_83 = tpu.memref_slice %arg2[%add3A_77, %convert_element_type3A_64, %dma_start3A_82] : memref<2704x16x255xf32, #tpu.memory_space<hbm>> -> memref<1x1x255xf32, #tpu.memory_space<hbm>>
    %dma_start3A_84 = arith.constant 2 : i32
    %dma_start3A_85 = arith.constant 0 : i32
    %dma_start3A_86 = arith.constant 0 : i32
    %dma_start3A_87 = tpu.memref_slice %arg6[%dma_start3A_84, %dma_start3A_85, %dma_start3A_86] : memref<8x1x255xf32, #tpu.memory_space<vmem>> -> memref<1x1x255xf32, #tpu.memory_space<vmem>>
    %dma_start3A_88 = arith.constant 0 : i32
    %dma_start3A_89 = tpu.memref_slice %arg2[%add3A_77, %convert_element_type3A_64, %dma_start3A_88] : memref<2704x16x255xf32, #tpu.memory_space<hbm>> -> memref<1x1x255xf32, #tpu.memory_space<hbm>>
    tpu.enqueue_dma source(%dma_start3A_89 : memref<1x1x255xf32, #tpu.memory_space<hbm>>) target(%dma_start3A_87 : memref<1x1x255xf32, #tpu.memory_space<vmem>>) target_semaphore(%arg7 : memref<!tpu.dma_semaphore, #tpu.memory_space<semaphore_mem>>)
    %slice3A_90 = vector.extract_strided_slice %get3A_5 {offsets = [8], sizes = [1], strides = [1]} : vector<16xf32> to vector<1xf32>
    %squeeze3A_91 = vector.extract %slice3A_90[0] : f32 from vector<1xf32>
    %convert_element_type3A_92 = arith.fptosi %squeeze3A_91 : f32 to i32
    %slice3A_93 = vector.extract_strided_slice %get3A_5 {offsets = [10], sizes = [1], strides = [1]} : vector<16xf32> to vector<1xf32>
    %squeeze3A_94 = vector.extract %slice3A_93[0] : f32 from vector<1xf32>
    %mul3A_95 = arith.constant 5.200000e+01 : f32
    %mul3A_96 = arith.mulf %squeeze3A_94, %mul3A_95 : f32
    %convert_element_type3A_97 = arith.fptosi %mul3A_96 : f32 to i32
    %slice3A_98 = vector.extract_strided_slice %get3A_5 {offsets = [11], sizes = [1], strides = [1]} : vector<16xf32> to vector<1xf32>
    %squeeze3A_99 = vector.extract %slice3A_98[0] : f32 from vector<1xf32>
    %mul3A_100 = arith.constant 5.200000e+01 : f32
    %mul3A_101 = arith.mulf %squeeze3A_99, %mul3A_100 : f32
    %convert_element_type3A_102 = arith.fptosi %mul3A_101 : f32 to i32
    %mul3A_103 = arith.constant 52 : i32
    %mul3A_104 = arith.muli %convert_element_type3A_102, %mul3A_103 : i32
    %add3A_105 = arith.addi %mul3A_104, %convert_element_type3A_97 : i32
    %dma_start3A_106 = arith.constant 3 : i32
    %dma_start3A_107 = arith.constant 0 : i32
    %dma_start3A_108 = arith.constant 0 : i32
    %dma_start3A_109 = tpu.memref_slice %arg6[%dma_start3A_106, %dma_start3A_107, %dma_start3A_108] : memref<8x1x255xf32, #tpu.memory_space<vmem>> -> memref<1x1x255xf32, #tpu.memory_space<vmem>>
    %dma_start3A_110 = arith.constant 0 : i32
    %dma_start3A_111 = tpu.memref_slice %arg2[%add3A_105, %convert_element_type3A_92, %dma_start3A_110] : memref<2704x16x255xf32, #tpu.memory_space<hbm>> -> memref<1x1x255xf32, #tpu.memory_space<hbm>>
    %dma_start3A_112 = arith.constant 3 : i32
    %dma_start3A_113 = arith.constant 0 : i32
    %dma_start3A_114 = arith.constant 0 : i32
    %dma_start3A_115 = tpu.memref_slice %arg6[%dma_start3A_112, %dma_start3A_113, %dma_start3A_114] : memref<8x1x255xf32, #tpu.memory_space<vmem>> -> memref<1x1x255xf32, #tpu.memory_space<vmem>>
    %dma_start3A_116 = arith.constant 0 : i32
    %dma_start3A_117 = tpu.memref_slice %arg2[%add3A_105, %convert_element_type3A_92, %dma_start3A_116] : memref<2704x16x255xf32, #tpu.memory_space<hbm>> -> memref<1x1x255xf32, #tpu.memory_space<hbm>>
    tpu.enqueue_dma source(%dma_start3A_117 : memref<1x1x255xf32, #tpu.memory_space<hbm>>) target(%dma_start3A_115 : memref<1x1x255xf32, #tpu.memory_space<vmem>>) target_semaphore(%arg7 : memref<!tpu.dma_semaphore, #tpu.memory_space<semaphore_mem>>)
    %slice3A_118 = vector.extract_strided_slice %get3A_7 {offsets = [0], sizes = [1], strides = [1]} : vector<16xf32> to vector<1xf32>
    %squeeze3A_119 = vector.extract %slice3A_118[0] : f32 from vector<1xf32>
    %convert_element_type3A_120 = arith.fptosi %squeeze3A_119 : f32 to i32
    %slice3A_121 = vector.extract_strided_slice %get3A_7 {offsets = [2], sizes = [1], strides = [1]} : vector<16xf32> to vector<1xf32>
    %squeeze3A_122 = vector.extract %slice3A_121[0] : f32 from vector<1xf32>
    %mul3A_123 = arith.constant 5.200000e+01 : f32
    %mul3A_124 = arith.mulf %squeeze3A_122, %mul3A_123 : f32
    %convert_element_type3A_125 = arith.fptosi %mul3A_124 : f32 to i32
    %slice3A_126 = vector.extract_strided_slice %get3A_7 {offsets = [3], sizes = [1], strides = [1]} : vector<16xf32> to vector<1xf32>
    %squeeze3A_127 = vector.extract %slice3A_126[0] : f32 from vector<1xf32>
    %mul3A_128 = arith.constant 5.200000e+01 : f32
    %mul3A_129 = arith.mulf %squeeze3A_127, %mul3A_128 : f32
    %convert_element_type3A_130 = arith.fptosi %mul3A_129 : f32 to i32
    %mul3A_131 = arith.constant 52 : i32
    %mul3A_132 = arith.muli %convert_element_type3A_130, %mul3A_131 : i32
    %add3A_133 = arith.addi %mul3A_132, %convert_element_type3A_125 : i32
    %dma_start3A_134 = arith.constant 4 : i32
    %dma_start3A_135 = arith.constant 0 : i32
    %dma_start3A_136 = arith.constant 0 : i32
    %dma_start3A_137 = tpu.memref_slice %arg6[%dma_start3A_134, %dma_start3A_135, %dma_start3A_136] : memref<8x1x255xf32, #tpu.memory_space<vmem>> -> memref<1x1x255xf32, #tpu.memory_space<vmem>>
    %dma_start3A_138 = arith.constant 0 : i32
    %dma_start3A_139 = tpu.memref_slice %arg2[%add3A_133, %convert_element_type3A_120, %dma_start3A_138] : memref<2704x16x255xf32, #tpu.memory_space<hbm>> -> memref<1x1x255xf32, #tpu.memory_space<hbm>>
    %dma_start3A_140 = arith.constant 4 : i32
    %dma_start3A_141 = arith.constant 0 : i32
    %dma_start3A_142 = arith.constant 0 : i32
    %dma_start3A_143 = tpu.memref_slice %arg6[%dma_start3A_140, %dma_start3A_141, %dma_start3A_142] : memref<8x1x255xf32, #tpu.memory_space<vmem>> -> memref<1x1x255xf32, #tpu.memory_space<vmem>>
    %dma_start3A_144 = arith.constant 0 : i32
    %dma_start3A_145 = tpu.memref_slice %arg2[%add3A_133, %convert_element_type3A_120, %dma_start3A_144] : memref<2704x16x255xf32, #tpu.memory_space<hbm>> -> memref<1x1x255xf32, #tpu.memory_space<hbm>>
    tpu.enqueue_dma source(%dma_start3A_145 : memref<1x1x255xf32, #tpu.memory_space<hbm>>) target(%dma_start3A_143 : memref<1x1x255xf32, #tpu.memory_space<vmem>>) target_semaphore(%arg7 : memref<!tpu.dma_semaphore, #tpu.memory_space<semaphore_mem>>)
    %slice3A_146 = vector.extract_strided_slice %get3A_7 {offsets = [8], sizes = [1], strides = [1]} : vector<16xf32> to vector<1xf32>
    %squeeze3A_147 = vector.extract %slice3A_146[0] : f32 from vector<1xf32>
    %convert_element_type3A_148 = arith.fptosi %squeeze3A_147 : f32 to i32
    %slice3A_149 = vector.extract_strided_slice %get3A_7 {offsets = [10], sizes = [1], strides = [1]} : vector<16xf32> to vector<1xf32>
    %squeeze3A_150 = vector.extract %slice3A_149[0] : f32 from vector<1xf32>
    %mul3A_151 = arith.constant 5.200000e+01 : f32
    %mul3A_152 = arith.mulf %squeeze3A_150, %mul3A_151 : f32
    %convert_element_type3A_153 = arith.fptosi %mul3A_152 : f32 to i32
    %slice3A_154 = vector.extract_strided_slice %get3A_7 {offsets = [11], sizes = [1], strides = [1]} : vector<16xf32> to vector<1xf32>
    %squeeze3A_155 = vector.extract %slice3A_154[0] : f32 from vector<1xf32>
    %mul3A_156 = arith.constant 5.200000e+01 : f32
    %mul3A_157 = arith.mulf %squeeze3A_155, %mul3A_156 : f32
    %convert_element_type3A_158 = arith.fptosi %mul3A_157 : f32 to i32
    %mul3A_159 = arith.constant 52 : i32
    %mul3A_160 = arith.muli %convert_element_type3A_158, %mul3A_159 : i32
    %add3A_161 = arith.addi %mul3A_160, %convert_element_type3A_153 : i32
    %dma_start3A_162 = arith.constant 5 : i32
    %dma_start3A_163 = arith.constant 0 : i32
    %dma_start3A_164 = arith.constant 0 : i32
    %dma_start3A_165 = tpu.memref_slice %arg6[%dma_start3A_162, %dma_start3A_163, %dma_start3A_164] : memref<8x1x255xf32, #tpu.memory_space<vmem>> -> memref<1x1x255xf32, #tpu.memory_space<vmem>>
    %dma_start3A_166 = arith.constant 0 : i32
    %dma_start3A_167 = tpu.memref_slice %arg2[%add3A_161, %convert_element_type3A_148, %dma_start3A_166] : memref<2704x16x255xf32, #tpu.memory_space<hbm>> -> memref<1x1x255xf32, #tpu.memory_space<hbm>>
    %dma_start3A_168 = arith.constant 5 : i32
    %dma_start3A_169 = arith.constant 0 : i32
    %dma_start3A_170 = arith.constant 0 : i32
    %dma_start3A_171 = tpu.memref_slice %arg6[%dma_start3A_168, %dma_start3A_169, %dma_start3A_170] : memref<8x1x255xf32, #tpu.memory_space<vmem>> -> memref<1x1x255xf32, #tpu.memory_space<vmem>>
    %dma_start3A_172 = arith.constant 0 : i32
    %dma_start3A_173 = tpu.memref_slice %arg2[%add3A_161, %convert_element_type3A_148, %dma_start3A_172] : memref<2704x16x255xf32, #tpu.memory_space<hbm>> -> memref<1x1x255xf32, #tpu.memory_space<hbm>>
    tpu.enqueue_dma source(%dma_start3A_173 : memref<1x1x255xf32, #tpu.memory_space<hbm>>) target(%dma_start3A_171 : memref<1x1x255xf32, #tpu.memory_space<vmem>>) target_semaphore(%arg7 : memref<!tpu.dma_semaphore, #tpu.memory_space<semaphore_mem>>)
    %slice3A_174 = vector.extract_strided_slice %get3A_9 {offsets = [0], sizes = [1], strides = [1]} : vector<16xf32> to vector<1xf32>
    %squeeze3A_175 = vector.extract %slice3A_174[0] : f32 from vector<1xf32>
    %convert_element_type3A_176 = arith.fptosi %squeeze3A_175 : f32 to i32
    %slice3A_177 = vector.extract_strided_slice %get3A_9 {offsets = [2], sizes = [1], strides = [1]} : vector<16xf32> to vector<1xf32>
    %squeeze3A_178 = vector.extract %slice3A_177[0] : f32 from vector<1xf32>
    %mul3A_179 = arith.constant 5.200000e+01 : f32
    %mul3A_180 = arith.mulf %squeeze3A_178, %mul3A_179 : f32
    %convert_element_type3A_181 = arith.fptosi %mul3A_180 : f32 to i32
    %slice3A_182 = vector.extract_strided_slice %get3A_9 {offsets = [3], sizes = [1], strides = [1]} : vector<16xf32> to vector<1xf32>
    %squeeze3A_183 = vector.extract %slice3A_182[0] : f32 from vector<1xf32>
    %mul3A_184 = arith.constant 5.200000e+01 : f32
    %mul3A_185 = arith.mulf %squeeze3A_183, %mul3A_184 : f32
    %convert_element_type3A_186 = arith.fptosi %mul3A_185 : f32 to i32
    %mul3A_187 = arith.constant 52 : i32
    %mul3A_188 = arith.muli %convert_element_type3A_186, %mul3A_187 : i32
    %add3A_189 = arith.addi %mul3A_188, %convert_element_type3A_181 : i32
    %dma_start3A_190 = arith.constant 6 : i32
    %dma_start3A_191 = arith.constant 0 : i32
    %dma_start3A_192 = arith.constant 0 : i32
    %dma_start3A_193 = tpu.memref_slice %arg6[%dma_start3A_190, %dma_start3A_191, %dma_start3A_192] : memref<8x1x255xf32, #tpu.memory_space<vmem>> -> memref<1x1x255xf32, #tpu.memory_space<vmem>>
    %dma_start3A_194 = arith.constant 0 : i32
    %dma_start3A_195 = tpu.memref_slice %arg2[%add3A_189, %convert_element_type3A_176, %dma_start3A_194] : memref<2704x16x255xf32, #tpu.memory_space<hbm>> -> memref<1x1x255xf32, #tpu.memory_space<hbm>>
    %dma_start3A_196 = arith.constant 6 : i32
    %dma_start3A_197 = arith.constant 0 : i32
    %dma_start3A_198 = arith.constant 0 : i32
    %dma_start3A_199 = tpu.memref_slice %arg6[%dma_start3A_196, %dma_start3A_197, %dma_start3A_198] : memref<8x1x255xf32, #tpu.memory_space<vmem>> -> memref<1x1x255xf32, #tpu.memory_space<vmem>>
    %dma_start3A_200 = arith.constant 0 : i32
    %dma_start3A_201 = tpu.memref_slice %arg2[%add3A_189, %convert_element_type3A_176, %dma_start3A_200] : memref<2704x16x255xf32, #tpu.memory_space<hbm>> -> memref<1x1x255xf32, #tpu.memory_space<hbm>>
    tpu.enqueue_dma source(%dma_start3A_201 : memref<1x1x255xf32, #tpu.memory_space<hbm>>) target(%dma_start3A_199 : memref<1x1x255xf32, #tpu.memory_space<vmem>>) target_semaphore(%arg7 : memref<!tpu.dma_semaphore, #tpu.memory_space<semaphore_mem>>)
    %slice3A_202 = vector.extract_strided_slice %get3A_9 {offsets = [8], sizes = [1], strides = [1]} : vector<16xf32> to vector<1xf32>
    %squeeze3A_203 = vector.extract %slice3A_202[0] : f32 from vector<1xf32>
    %convert_element_type3A_204 = arith.fptosi %squeeze3A_203 : f32 to i32
    %slice3A_205 = vector.extract_strided_slice %get3A_9 {offsets = [10], sizes = [1], strides = [1]} : vector<16xf32> to vector<1xf32>
    %squeeze3A_206 = vector.extract %slice3A_205[0] : f32 from vector<1xf32>
    %mul3A_207 = arith.constant 5.200000e+01 : f32
    %mul3A_208 = arith.mulf %squeeze3A_206, %mul3A_207 : f32
    %convert_element_type3A_209 = arith.fptosi %mul3A_208 : f32 to i32
    %slice3A_210 = vector.extract_strided_slice %get3A_9 {offsets = [11], sizes = [1], strides = [1]} : vector<16xf32> to vector<1xf32>
    %squeeze3A_211 = vector.extract %slice3A_210[0] : f32 from vector<1xf32>
    %mul3A_212 = arith.constant 5.200000e+01 : f32
    %mul3A_213 = arith.mulf %squeeze3A_211, %mul3A_212 : f32
    %convert_element_type3A_214 = arith.fptosi %mul3A_213 : f32 to i32
    %mul3A_215 = arith.constant 52 : i32
    %mul3A_216 = arith.muli %convert_element_type3A_214, %mul3A_215 : i32
    %add3A_217 = arith.addi %mul3A_216, %convert_element_type3A_209 : i32
    %dma_start3A_218 = arith.constant 7 : i32
    %dma_start3A_219 = arith.constant 0 : i32
    %dma_start3A_220 = arith.constant 0 : i32
    %dma_start3A_221 = tpu.memref_slice %arg6[%dma_start3A_218, %dma_start3A_219, %dma_start3A_220] : memref<8x1x255xf32, #tpu.memory_space<vmem>> -> memref<1x1x255xf32, #tpu.memory_space<vmem>>
    %dma_start3A_222 = arith.constant 0 : i32
    %dma_start3A_223 = tpu.memref_slice %arg2[%add3A_217, %convert_element_type3A_204, %dma_start3A_222] : memref<2704x16x255xf32, #tpu.memory_space<hbm>> -> memref<1x1x255xf32, #tpu.memory_space<hbm>>
    %dma_start3A_224 = arith.constant 7 : i32
    %dma_start3A_225 = arith.constant 0 : i32
    %dma_start3A_226 = arith.constant 0 : i32
    %dma_start3A_227 = tpu.memref_slice %arg6[%dma_start3A_224, %dma_start3A_225, %dma_start3A_226] : memref<8x1x255xf32, #tpu.memory_space<vmem>> -> memref<1x1x255xf32, #tpu.memory_space<vmem>>
    %dma_start3A_228 = arith.constant 0 : i32
    %dma_start3A_229 = tpu.memref_slice %arg2[%add3A_217, %convert_element_type3A_204, %dma_start3A_228] : memref<2704x16x255xf32, #tpu.memory_space<hbm>> -> memref<1x1x255xf32, #tpu.memory_space<hbm>>
    tpu.enqueue_dma source(%dma_start3A_229 : memref<1x1x255xf32, #tpu.memory_space<hbm>>) target(%dma_start3A_227 : memref<1x1x255xf32, #tpu.memory_space<vmem>>) target_semaphore(%arg7 : memref<!tpu.dma_semaphore, #tpu.memory_space<semaphore_mem>>)
    %dma_wait3A = arith.constant 0 : i32
    %dma_wait3A_230 = arith.constant 0 : i32
    %dma_wait3A_231 = arith.constant 0 : i32
    %dma_wait3A_232 = tpu.memref_slice %arg6[%dma_wait3A, %dma_wait3A_230, %dma_wait3A_231] : memref<8x1x255xf32, #tpu.memory_space<vmem>> -> memref<1x1x255xf32, #tpu.memory_space<vmem>>
    %dma_wait3A_233 = arith.constant 0 : i32
    %dma_wait3A_234 = tpu.memref_slice %arg2[%add3A_22, %convert_element_type3A, %dma_wait3A_233] : memref<2704x16x255xf32, #tpu.memory_space<hbm>> -> memref<1x1x255xf32, #tpu.memory_space<hbm>>
    %dma_wait3A_235 = arith.constant 0 : i32
    %dma_wait3A_236 = arith.constant 0 : i32
    %dma_wait3A_237 = arith.constant 0 : i32
    %dma_wait3A_238 = tpu.memref_slice %arg6[%dma_wait3A_235, %dma_wait3A_236, %dma_wait3A_237] : memref<8x1x255xf32, #tpu.memory_space<vmem>> -> memref<1x1x255xf32, #tpu.memory_space<vmem>>
    %dma_wait3A_239 = arith.constant 0 : i32
    %dma_wait3A_240 = tpu.memref_slice %arg2[%add3A_22, %convert_element_type3A, %dma_wait3A_239] : memref<2704x16x255xf32, #tpu.memory_space<hbm>> -> memref<1x1x255xf32, #tpu.memory_space<hbm>>
    tpu.wait_dma2 semaphore(%arg7 : memref<!tpu.dma_semaphore, #tpu.memory_space<semaphore_mem>>) src(%dma_wait3A_240 : memref<1x1x255xf32, #tpu.memory_space<hbm>>) dst(%dma_wait3A_238 : memref<1x1x255xf32, #tpu.memory_space<vmem>>)
    %dma_wait3A_241 = arith.constant 1 : i32
    %dma_wait3A_242 = arith.constant 0 : i32
    %dma_wait3A_243 = arith.constant 0 : i32
    %dma_wait3A_244 = tpu.memref_slice %arg6[%dma_wait3A_241, %dma_wait3A_242, %dma_wait3A_243] : memref<8x1x255xf32, #tpu.memory_space<vmem>> -> memref<1x1x255xf32, #tpu.memory_space<vmem>>
    %dma_wait3A_245 = arith.constant 0 : i32
    %dma_wait3A_246 = tpu.memref_slice %arg2[%add3A_49, %convert_element_type3A_36, %dma_wait3A_245] : memref<2704x16x255xf32, #tpu.memory_space<hbm>> -> memref<1x1x255xf32, #tpu.memory_space<hbm>>
    %dma_wait3A_247 = arith.constant 1 : i32
    %dma_wait3A_248 = arith.constant 0 : i32
    %dma_wait3A_249 = arith.constant 0 : i32
    %dma_wait3A_250 = tpu.memref_slice %arg6[%dma_wait3A_247, %dma_wait3A_248, %dma_wait3A_249] : memref<8x1x255xf32, #tpu.memory_space<vmem>> -> memref<1x1x255xf32, #tpu.memory_space<vmem>>
    %dma_wait3A_251 = arith.constant 0 : i32
    %dma_wait3A_252 = tpu.memref_slice %arg2[%add3A_49, %convert_element_type3A_36, %dma_wait3A_251] : memref<2704x16x255xf32, #tpu.memory_space<hbm>> -> memref<1x1x255xf32, #tpu.memory_space<hbm>>
    tpu.wait_dma2 semaphore(%arg7 : memref<!tpu.dma_semaphore, #tpu.memory_space<semaphore_mem>>) src(%dma_wait3A_252 : memref<1x1x255xf32, #tpu.memory_space<hbm>>) dst(%dma_wait3A_250 : memref<1x1x255xf32, #tpu.memory_space<vmem>>)
    %dma_wait3A_253 = arith.constant 2 : i32
    %dma_wait3A_254 = arith.constant 0 : i32
    %dma_wait3A_255 = arith.constant 0 : i32
    %dma_wait3A_256 = tpu.memref_slice %arg6[%dma_wait3A_253, %dma_wait3A_254, %dma_wait3A_255] : memref<8x1x255xf32, #tpu.memory_space<vmem>> -> memref<1x1x255xf32, #tpu.memory_space<vmem>>
    %dma_wait3A_257 = arith.constant 0 : i32
    %dma_wait3A_258 = tpu.memref_slice %arg2[%add3A_77, %convert_element_type3A_64, %dma_wait3A_257] : memref<2704x16x255xf32, #tpu.memory_space<hbm>> -> memref<1x1x255xf32, #tpu.memory_space<hbm>>
    %dma_wait3A_259 = arith.constant 2 : i32
    %dma_wait3A_260 = arith.constant 0 : i32
    %dma_wait3A_261 = arith.constant 0 : i32
    %dma_wait3A_262 = tpu.memref_slice %arg6[%dma_wait3A_259, %dma_wait3A_260, %dma_wait3A_261] : memref<8x1x255xf32, #tpu.memory_space<vmem>> -> memref<1x1x255xf32, #tpu.memory_space<vmem>>
    %dma_wait3A_263 = arith.constant 0 : i32
    %dma_wait3A_264 = tpu.memref_slice %arg2[%add3A_77, %convert_element_type3A_64, %dma_wait3A_263] : memref<2704x16x255xf32, #tpu.memory_space<hbm>> -> memref<1x1x255xf32, #tpu.memory_space<hbm>>
    tpu.wait_dma2 semaphore(%arg7 : memref<!tpu.dma_semaphore, #tpu.memory_space<semaphore_mem>>) src(%dma_wait3A_264 : memref<1x1x255xf32, #tpu.memory_space<hbm>>) dst(%dma_wait3A_262 : memref<1x1x255xf32, #tpu.memory_space<vmem>>)
    %dma_wait3A_265 = arith.constant 3 : i32
    %dma_wait3A_266 = arith.constant 0 : i32
    %dma_wait3A_267 = arith.constant 0 : i32
    %dma_wait3A_268 = tpu.memref_slice %arg6[%dma_wait3A_265, %dma_wait3A_266, %dma_wait3A_267] : memref<8x1x255xf32, #tpu.memory_space<vmem>> -> memref<1x1x255xf32, #tpu.memory_space<vmem>>
    %dma_wait3A_269 = arith.constant 0 : i32
    %dma_wait3A_270 = tpu.memref_slice %arg2[%add3A_105, %convert_element_type3A_92, %dma_wait3A_269] : memref<2704x16x255xf32, #tpu.memory_space<hbm>> -> memref<1x1x255xf32, #tpu.memory_space<hbm>>
    %dma_wait3A_271 = arith.constant 3 : i32
    %dma_wait3A_272 = arith.constant 0 : i32
    %dma_wait3A_273 = arith.constant 0 : i32
    %dma_wait3A_274 = tpu.memref_slice %arg6[%dma_wait3A_271, %dma_wait3A_272, %dma_wait3A_273] : memref<8x1x255xf32, #tpu.memory_space<vmem>> -> memref<1x1x255xf32, #tpu.memory_space<vmem>>
    %dma_wait3A_275 = arith.constant 0 : i32
    %dma_wait3A_276 = tpu.memref_slice %arg2[%add3A_105, %convert_element_type3A_92, %dma_wait3A_275] : memref<2704x16x255xf32, #tpu.memory_space<hbm>> -> memref<1x1x255xf32, #tpu.memory_space<hbm>>
    tpu.wait_dma2 semaphore(%arg7 : memref<!tpu.dma_semaphore, #tpu.memory_space<semaphore_mem>>) src(%dma_wait3A_276 : memref<1x1x255xf32, #tpu.memory_space<hbm>>) dst(%dma_wait3A_274 : memref<1x1x255xf32, #tpu.memory_space<vmem>>)
    %dma_wait3A_277 = arith.constant 4 : i32
    %dma_wait3A_278 = arith.constant 0 : i32
    %dma_wait3A_279 = arith.constant 0 : i32
    %dma_wait3A_280 = tpu.memref_slice %arg6[%dma_wait3A_277, %dma_wait3A_278, %dma_wait3A_279] : memref<8x1x255xf32, #tpu.memory_space<vmem>> -> memref<1x1x255xf32, #tpu.memory_space<vmem>>
    %dma_wait3A_281 = arith.constant 0 : i32
    %dma_wait3A_282 = tpu.memref_slice %arg2[%add3A_133, %convert_element_type3A_120, %dma_wait3A_281] : memref<2704x16x255xf32, #tpu.memory_space<hbm>> -> memref<1x1x255xf32, #tpu.memory_space<hbm>>
    %dma_wait3A_283 = arith.constant 4 : i32
    %dma_wait3A_284 = arith.constant 0 : i32
    %dma_wait3A_285 = arith.constant 0 : i32
    %dma_wait3A_286 = tpu.memref_slice %arg6[%dma_wait3A_283, %dma_wait3A_284, %dma_wait3A_285] : memref<8x1x255xf32, #tpu.memory_space<vmem>> -> memref<1x1x255xf32, #tpu.memory_space<vmem>>
    %dma_wait3A_287 = arith.constant 0 : i32
    %dma_wait3A_288 = tpu.memref_slice %arg2[%add3A_133, %convert_element_type3A_120, %dma_wait3A_287] : memref<2704x16x255xf32, #tpu.memory_space<hbm>> -> memref<1x1x255xf32, #tpu.memory_space<hbm>>
    tpu.wait_dma2 semaphore(%arg7 : memref<!tpu.dma_semaphore, #tpu.memory_space<semaphore_mem>>) src(%dma_wait3A_288 : memref<1x1x255xf32, #tpu.memory_space<hbm>>) dst(%dma_wait3A_286 : memref<1x1x255xf32, #tpu.memory_space<vmem>>)
    %dma_wait3A_289 = arith.constant 5 : i32
    %dma_wait3A_290 = arith.constant 0 : i32
    %dma_wait3A_291 = arith.constant 0 : i32
    %dma_wait3A_292 = tpu.memref_slice %arg6[%dma_wait3A_289, %dma_wait3A_290, %dma_wait3A_291] : memref<8x1x255xf32, #tpu.memory_space<vmem>> -> memref<1x1x255xf32, #tpu.memory_space<vmem>>
    %dma_wait3A_293 = arith.constant 0 : i32
    %dma_wait3A_294 = tpu.memref_slice %arg2[%add3A_161, %convert_element_type3A_148, %dma_wait3A_293] : memref<2704x16x255xf32, #tpu.memory_space<hbm>> -> memref<1x1x255xf32, #tpu.memory_space<hbm>>
    %dma_wait3A_295 = arith.constant 5 : i32
    %dma_wait3A_296 = arith.constant 0 : i32
    %dma_wait3A_297 = arith.constant 0 : i32
    %dma_wait3A_298 = tpu.memref_slice %arg6[%dma_wait3A_295, %dma_wait3A_296, %dma_wait3A_297] : memref<8x1x255xf32, #tpu.memory_space<vmem>> -> memref<1x1x255xf32, #tpu.memory_space<vmem>>
    %dma_wait3A_299 = arith.constant 0 : i32
    %dma_wait3A_300 = tpu.memref_slice %arg2[%add3A_161, %convert_element_type3A_148, %dma_wait3A_299] : memref<2704x16x255xf32, #tpu.memory_space<hbm>> -> memref<1x1x255xf32, #tpu.memory_space<hbm>>
    tpu.wait_dma2 semaphore(%arg7 : memref<!tpu.dma_semaphore, #tpu.memory_space<semaphore_mem>>) src(%dma_wait3A_300 : memref<1x1x255xf32, #tpu.memory_space<hbm>>) dst(%dma_wait3A_298 : memref<1x1x255xf32, #tpu.memory_space<vmem>>)
    %dma_wait3A_301 = arith.constant 6 : i32
    %dma_wait3A_302 = arith.constant 0 : i32
    %dma_wait3A_303 = arith.constant 0 : i32
    %dma_wait3A_304 = tpu.memref_slice %arg6[%dma_wait3A_301, %dma_wait3A_302, %dma_wait3A_303] : memref<8x1x255xf32, #tpu.memory_space<vmem>> -> memref<1x1x255xf32, #tpu.memory_space<vmem>>
    %dma_wait3A_305 = arith.constant 0 : i32
    %dma_wait3A_306 = tpu.memref_slice %arg2[%add3A_189, %convert_element_type3A_176, %dma_wait3A_305] : memref<2704x16x255xf32, #tpu.memory_space<hbm>> -> memref<1x1x255xf32, #tpu.memory_space<hbm>>
    %dma_wait3A_307 = arith.constant 6 : i32
    %dma_wait3A_308 = arith.constant 0 : i32
    %dma_wait3A_309 = arith.constant 0 : i32
    %dma_wait3A_310 = tpu.memref_slice %arg6[%dma_wait3A_307, %dma_wait3A_308, %dma_wait3A_309] : memref<8x1x255xf32, #tpu.memory_space<vmem>> -> memref<1x1x255xf32, #tpu.memory_space<vmem>>
    %dma_wait3A_311 = arith.constant 0 : i32
    %dma_wait3A_312 = tpu.memref_slice %arg2[%add3A_189, %convert_element_type3A_176, %dma_wait3A_311] : memref<2704x16x255xf32, #tpu.memory_space<hbm>> -> memref<1x1x255xf32, #tpu.memory_space<hbm>>
    tpu.wait_dma2 semaphore(%arg7 : memref<!tpu.dma_semaphore, #tpu.memory_space<semaphore_mem>>) src(%dma_wait3A_312 : memref<1x1x255xf32, #tpu.memory_space<hbm>>) dst(%dma_wait3A_310 : memref<1x1x255xf32, #tpu.memory_space<vmem>>)
    %dma_wait3A_313 = arith.constant 7 : i32
    %dma_wait3A_314 = arith.constant 0 : i32
    %dma_wait3A_315 = arith.constant 0 : i32
    %dma_wait3A_316 = tpu.memref_slice %arg6[%dma_wait3A_313, %dma_wait3A_314, %dma_wait3A_315] : memref<8x1x255xf32, #tpu.memory_space<vmem>> -> memref<1x1x255xf32, #tpu.memory_space<vmem>>
    %dma_wait3A_317 = arith.constant 0 : i32
    %dma_wait3A_318 = tpu.memref_slice %arg2[%add3A_217, %convert_element_type3A_204, %dma_wait3A_317] : memref<2704x16x255xf32, #tpu.memory_space<hbm>> -> memref<1x1x255xf32, #tpu.memory_space<hbm>>
    %dma_wait3A_319 = arith.constant 7 : i32
    %dma_wait3A_320 = arith.constant 0 : i32
    %dma_wait3A_321 = arith.constant 0 : i32
    %dma_wait3A_322 = tpu.memref_slice %arg6[%dma_wait3A_319, %dma_wait3A_320, %dma_wait3A_321] : memref<8x1x255xf32, #tpu.memory_space<vmem>> -> memref<1x1x255xf32, #tpu.memory_space<vmem>>
    %dma_wait3A_323 = arith.constant 0 : i32
    %dma_wait3A_324 = tpu.memref_slice %arg2[%add3A_217, %convert_element_type3A_204, %dma_wait3A_323] : memref<2704x16x255xf32, #tpu.memory_space<hbm>> -> memref<1x1x255xf32, #tpu.memory_space<hbm>>
    tpu.wait_dma2 semaphore(%arg7 : memref<!tpu.dma_semaphore, #tpu.memory_space<semaphore_mem>>) src(%dma_wait3A_324 : memref<1x1x255xf32, #tpu.memory_space<hbm>>) dst(%dma_wait3A_322 : memref<1x1x255xf32, #tpu.memory_space<vmem>>)
    "tpu.region"() ({
      %run_scoped3A = tpu.sem_alloc : memref<!tpu.dma_semaphore, #tpu.memory_space<semaphore_mem>>
      %dma_start3A_325 = arith.constant 0 : i32
      %dma_start3A_326 = arith.constant 0 : i32
      %dma_start3A_327 = tpu.memref_slice %arg4[%mul3A_0, %dma_start3A_325, %dma_start3A_326] : memref<128x1x255xf32, #tpu.memory_space<hbm>> -> memref<8x1x255xf32, #tpu.memory_space<hbm>>
      %dma_start3A_328 = arith.constant 0 : i32
      %dma_start3A_329 = arith.constant 0 : i32
      %dma_start3A_330 = tpu.memref_slice %arg4[%mul3A_0, %dma_start3A_328, %dma_start3A_329] : memref<128x1x255xf32, #tpu.memory_space<hbm>> -> memref<8x1x255xf32, #tpu.memory_space<hbm>>
      tpu.enqueue_dma source(%arg6 : memref<8x1x255xf32, #tpu.memory_space<vmem>>) target(%dma_start3A_330 : memref<8x1x255xf32, #tpu.memory_space<hbm>>) target_semaphore(%run_scoped3A : memref<!tpu.dma_semaphore, #tpu.memory_space<semaphore_mem>>)
      %dma_wait3A_331 = arith.constant 0 : i32
      %dma_wait3A_332 = arith.constant 0 : i32
      %dma_wait3A_333 = tpu.memref_slice %arg4[%mul3A_0, %dma_wait3A_331, %dma_wait3A_332] : memref<128x1x255xf32, #tpu.memory_space<hbm>> -> memref<8x1x255xf32, #tpu.memory_space<hbm>>
      %dma_wait3A_334 = arith.constant 0 : i32
      %dma_wait3A_335 = arith.constant 0 : i32
      %dma_wait3A_336 = tpu.memref_slice %arg4[%mul3A_0, %dma_wait3A_334, %dma_wait3A_335] : memref<128x1x255xf32, #tpu.memory_space<hbm>> -> memref<8x1x255xf32, #tpu.memory_space<hbm>>
      tpu.wait_dma2 semaphore(%run_scoped3A : memref<!tpu.dma_semaphore, #tpu.memory_space<semaphore_mem>>) src(%arg6 : memref<8x1x255xf32, #tpu.memory_space<vmem>>) dst(%dma_wait3A_336 : memref<8x1x255xf32, #tpu.memory_space<hbm>>)
      tpu.yield
    }) : () -> ()
    return
  }
}

module attributes {stable_mosaic.version = 14 : i64} {
  func.func @_tc_dense_body(%arg0: i32, %arg1: memref<676x16x255xf32, #tpu.memory_space<vmem>>, %arg2: memref<1x1xf32, #tpu.memory_space<vmem>>, %arg3: memref<1xf32, #tpu.memory_space<smem>>) attributes {dimension_semantics = [#tpu.dimension_semantics<arbitrary>], iteration_bounds = array<i64: 4>, scalar_prefetch = 0 : i64, scratch_operands = 1 : i64, tpu.core_type = #tpu.core_type<tc>, window_params = [{transform_indices = @transform_0, window_bounds = array<i64: 676, 16, 255>}, {pipeline_mode = #tpu.pipeline_mode<synchronous>, transform_indices = @transform_1, window_bounds = array<i64: 1, 1>}]} {
    %eq3A = arith.constant 0 : i32
    %eq3A_0 = arith.cmpi eq, %arg0, %eq3A : i32
    %convert_element_type3A = arith.extui %eq3A_0 : i1 to i32
    %cond3A = arith.constant 0 : i32
    %cond3A_1 = arith.cmpi ne, %convert_element_type3A, %cond3A : i32
    scf.if %cond3A_1 {
      %swap3A_48 = arith.constant 0.000000e+00 : f32
      %swap3A_49 = arith.constant 0 : index
      %swap3A_50 = memref.load %arg3[%swap3A_49] : memref<1xf32, #tpu.memory_space<smem>>
      memref.store %swap3A_48, %arg3[%swap3A_49] : memref<1xf32, #tpu.memory_space<smem>>
    } else {
    }
    %get3A = arith.constant 0 : index
    %get3A_2 = arith.constant 0 : index
    %get3A_3 = arith.constant 0 : index
    %get3A_4 = vector.load %arg1[%get3A, %get3A_2, %get3A_3] : memref<676x16x255xf32, #tpu.memory_space<vmem>>, vector<676x16x255xf32>
    %reshape3A = vector.shape_cast %get3A_4 : vector<676x16x255xf32> to vector<10816x255xf32>
    %iota3A = tpu.iota {dimensions = array<i32: 0>} : vector<255x8xi32>
    %iota3A_5 = tpu.iota {dimensions = array<i32: 1>} : vector<255x8xi32>
    %mul3A = arith.constant 85 : i32
    %mul3A_6 = vector.broadcast %mul3A : i32 to vector<255x8xi32>
    %mul3A_7 = arith.muli %iota3A_5, %mul3A_6 : vector<255x8xi32>
    %add3A = arith.constant 4 : i32
    %add3A_8 = vector.broadcast %add3A : i32 to vector<255x8xi32>
    %add3A_9 = arith.addi %mul3A_7, %add3A_8 : vector<255x8xi32>
    %eq3A_10 = arith.cmpi eq, %iota3A, %add3A_9 : vector<255x8xi32>
    %lt3A = arith.constant 3 : i32
    %lt3A_11 = vector.broadcast %lt3A : i32 to vector<255x8xi32>
    %lt3A_12 = arith.cmpi slt, %iota3A_5, %lt3A_11 : vector<255x8xi32>
    %and3A = arith.andi %eq3A_10, %lt3A_12 : vector<255x8xi1>
    %convert_element_type3A_13 = arith.extui %and3A : vector<255x8xi1> to vector<255x8xi32>
    %convert_element_type3A_14 = arith.sitofp %convert_element_type3A_13 : vector<255x8xi32> to vector<255x8xf32>
    %dot_general3A = arith.constant dense<0.000000e+00> : vector<10816x8xf32>
    %dot_general3A_15 = tpu.matmul %reshape3A, %convert_element_type3A_14, %dot_general3A {dimension_numbers = #tpu.dot_dimension_numbers<[1], [0], [0], [1], [0, 0, 1, 1], [], []>, transpose_lhs_hint = false} : vector<10816x255xf32>, vector<255x8xf32>, vector<10816x8xf32> -> vector<10816x8xf32>
    %iota3A_16 = tpu.iota {dimensions = array<i32: 1>} : vector<1x8xi32>
    %lt3A_17 = arith.constant 3 : i32
    %lt3A_18 = vector.broadcast %lt3A_17 : i32 to vector<1x8xi32>
    %lt3A_19 = arith.cmpi slt, %iota3A_16, %lt3A_18 : vector<1x8xi32>
    %get3A_20 = arith.constant 0 : index
    %get3A_21 = memref.load %arg3[%get3A_20] : memref<1xf32, #tpu.memory_space<smem>>
    %logistic3A = arith.negf %dot_general3A_15 : vector<10816x8xf32>
    %logistic3A_22 = math.exp %logistic3A : vector<10816x8xf32>
    %logistic3A_23 = arith.constant 1.000000e+00 : f32
    %logistic3A_24 = vector.broadcast %logistic3A_23 : f32 to vector<10816x8xf32>
    %logistic3A_25 = arith.addf %logistic3A_24, %logistic3A_22 : vector<10816x8xf32>
    %logistic3A_26 = arith.divf %logistic3A_24, %logistic3A_25 : vector<10816x8xf32>
    %jit3A = arith.constant 1.000000e-07 : f32
    %jit3A_27 = arith.constant 0.99999988 : f32
    %max3A = vector.broadcast %jit3A : f32 to vector<10816x8xf32>
    %max3A_28 = arith.maximumf %max3A, %logistic3A_26 : vector<10816x8xf32>
    %min3A = vector.broadcast %jit3A_27 : f32 to vector<10816x8xf32>
    %min3A_29 = arith.minimumf %min3A, %max3A_28 : vector<10816x8xf32>
    %sub3A = arith.constant 1.000000e+00 : f32
    %sub3A_30 = vector.broadcast %sub3A : f32 to vector<10816x8xf32>
    %sub3A_31 = arith.subf %sub3A_30, %min3A_29 : vector<10816x8xf32>
    %log3A = math.log %sub3A_31 : vector<10816x8xf32>
    %neg3A = arith.constant 0.000000e+00 : f32
    %neg3A_32 = vector.broadcast %neg3A : f32 to vector<10816x8xf32>
    %neg3A_33 = arith.subf %neg3A_32, %log3A : vector<10816x8xf32>
    %jit3A_34 = arith.constant 0.000000e+00 : f32
    %broadcast_in_dim3A = vector.shape_cast %lt3A_19 : vector<1x8xi1> to vector<1x8xi1>
    %broadcast_in_dim3A_35 = vector.broadcast %broadcast_in_dim3A : vector<1x8xi1> to vector<10816x8xi1>
    %broadcast_in_dim3A_36 = vector.broadcast %jit3A_34 : f32 to vector<10816x8xf32>
    %select_n3A = arith.select %broadcast_in_dim3A_35, %neg3A_33, %broadcast_in_dim3A_36 : vector<10816x8xi1>, vector<10816x8xf32>
    %reduce_sum3A = vector.shape_cast %select_n3A : vector<10816x8xf32> to vector<1x10816x8xf32>
    %reduce_sum3A_37 = arith.constant dense<0.000000e+00> : vector<1xf32>
    %reduce_sum3A_38 = vector.multi_reduction <add>, %reduce_sum3A, %reduce_sum3A_37 [1, 2] : vector<1x10816x8xf32> to vector<1xf32>
    %reduce_sum3A_39 = vector.shape_cast %reduce_sum3A_38 : vector<1xf32> to vector<1x1x1xf32>
    %reduce_sum3A_40 = vector.extract %reduce_sum3A_39[0, 0, 0] : f32 from vector<1x1x1xf32>
    %add3A_41 = arith.addf %get3A_21, %reduce_sum3A_40 : f32
    %swap3A = arith.constant 0 : index
    %swap3A_42 = memref.load %arg3[%swap3A] : memref<1xf32, #tpu.memory_space<smem>>
    memref.store %add3A_41, %arg3[%swap3A] : memref<1xf32, #tpu.memory_space<smem>>
    %eq3A_43 = arith.constant 3 : i32
    %eq3A_44 = arith.cmpi eq, %arg0, %eq3A_43 : i32
    %convert_element_type3A_45 = arith.extui %eq3A_44 : i1 to i32
    %cond3A_46 = arith.constant 0 : i32
    %cond3A_47 = arith.cmpi ne, %convert_element_type3A_45, %cond3A_46 : i32
    scf.if %cond3A_47 {
      %get3A_48 = arith.constant 0 : index
      %get3A_49 = memref.load %arg3[%get3A_48] : memref<1xf32, #tpu.memory_space<smem>>
      %broadcast_in_dim3A_50 = vector.broadcast %get3A_49 : f32 to vector<1x1xf32>
      %swap3A_51 = arith.constant 0 : index
      %swap3A_52 = arith.constant 0 : index
      %swap3A_53 = vector.load %arg2[%swap3A_51, %swap3A_52] : memref<1x1xf32, #tpu.memory_space<vmem>>, vector<1x1xf32>
      tpu.vector_store %arg2[%swap3A_51, %swap3A_52], %broadcast_in_dim3A_50 {strides = array<i32>} : memref<1x1xf32, #tpu.memory_space<vmem>>, vector<1x1xf32>,
    } else {
    }
    return
  }
  func.func @transform_0(%arg0: i32) -> (i32, i32, i32) {
    %c0_i32 = arith.constant 0 : i32
    %c0_i32_0 = arith.constant 0 : i32
    %c0_i32_1 = arith.constant 0 : i32
    return %arg0, %c0_i32, %c0_i32_0 : i32, i32, i32
  }
  func.func @transform_1(%arg0: i32) -> (i32, i32) {
    %c0_i32 = arith.constant 0 : i32
    %c0_i32_0 = arith.constant 0 : i32
    %c0_i32_1 = arith.constant 0 : i32
    return %c0_i32, %c0_i32_0 : i32, i32
  }
}

module attributes {stable_mosaic.version = 14 : i64} {
  func.func @_tc_final_body(%arg0: i32, %arg1: memref<1x1xf32, #tpu.memory_space<smem>>, %arg2: memref<128x255xf32, #tpu.memory_space<vmem>>, %arg3: memref<128x8xf32, #tpu.memory_space<vmem>>, %arg4: memref<8x128xf32, #tpu.memory_space<vmem>>, %arg5: memref<1x1xf32, #tpu.memory_space<vmem>>) attributes {dimension_semantics = [#tpu.dimension_semantics<arbitrary>], iteration_bounds = array<i64: 1>, scalar_prefetch = 0 : i64, scratch_operands = 0 : i64, tpu.core_type = #tpu.core_type<tc>, window_params = [{transform_indices = @transform_0, window_bounds = array<i64: 1, 1>}, {pipeline_mode = #tpu.pipeline_mode<synchronous>, transform_indices = @transform_1, window_bounds = array<i64: 128, 255>}, {pipeline_mode = #tpu.pipeline_mode<synchronous>, transform_indices = @transform_2, window_bounds = array<i64: 128, 8>}, {pipeline_mode = #tpu.pipeline_mode<synchronous>, transform_indices = @transform_3, window_bounds = array<i64: 8, 128>}, {pipeline_mode = #tpu.pipeline_mode<synchronous>, transform_indices = @transform_4, window_bounds = array<i64: 1, 1>}]} {
    %iota3A = tpu.iota {dimensions = array<i32: 0>} : vector<128x1xi32>
    %iota3A_0 = tpu.iota {dimensions = array<i32: 1>} : vector<1x128xi32>
    %get3A = arith.constant 0 : index
    %get3A_1 = arith.constant 0 : index
    %get3A_2 = vector.load %arg3[%get3A, %get3A_1] : memref<128x8xf32, #tpu.memory_space<vmem>>, vector<128x1xf32>
    %get3A_3 = arith.constant 0 : index
    %get3A_4 = arith.constant 1 : index
    %get3A_5 = vector.load %arg3[%get3A_3, %get3A_4] : memref<128x8xf32, #tpu.memory_space<vmem>>, vector<128x1xf32>
    %get3A_6 = arith.constant 0 : index
    %get3A_7 = arith.constant 2 : index
    %get3A_8 = vector.load %arg3[%get3A_6, %get3A_7] : memref<128x8xf32, #tpu.memory_space<vmem>>, vector<128x1xf32>
    %get3A_9 = arith.constant 0 : index
    %get3A_10 = arith.constant 3 : index
    %get3A_11 = vector.load %arg3[%get3A_9, %get3A_10] : memref<128x8xf32, #tpu.memory_space<vmem>>, vector<128x1xf32>
    %get3A_12 = arith.constant 0 : index
    %get3A_13 = arith.constant 4 : index
    %get3A_14 = vector.load %arg3[%get3A_12, %get3A_13] : memref<128x8xf32, #tpu.memory_space<vmem>>, vector<128x1xf32>
    %get3A_15 = arith.constant 0 : index
    %get3A_16 = arith.constant 5 : index
    %get3A_17 = vector.load %arg3[%get3A_15, %get3A_16] : memref<128x8xf32, #tpu.memory_space<vmem>>, vector<128x1xf32>
    %convert_element_type3A = arith.fptosi %get3A_2 : vector<128x1xf32> to vector<128x1xi32>
    %convert_element_type3A_18 = arith.fptosi %get3A_5 : vector<128x1xf32> to vector<128x1xi32>
    %min3A = arith.constant 5.000000e-02 : f32
    %min3A_19 = vector.broadcast %min3A : f32 to vector<128x1xf32>
    %min3A_20 = arith.minimumf %get3A_14, %min3A_19 : vector<128x1xf32>
    %min3A_21 = arith.constant 7.000000e-02 : f32
    %min3A_22 = vector.broadcast %min3A_21 : f32 to vector<128x1xf32>
    %min3A_23 = arith.minimumf %get3A_17, %min3A_22 : vector<128x1xf32>
    %mul3A = arith.mulf %min3A_20, %min3A_23 : vector<128x1xf32>
    %mul3A_24 = arith.mulf %get3A_14, %get3A_17 : vector<128x1xf32>
    %add3A = arith.constant 3.500000e-03 : f32
    %add3A_25 = vector.broadcast %add3A : f32 to vector<128x1xf32>
    %add3A_26 = arith.addf %mul3A_24, %add3A_25 : vector<128x1xf32>
    %sub3A = arith.subf %add3A_26, %mul3A : vector<128x1xf32>
    %add3A_27 = arith.constant 1.000000e-16 : f32
    %add3A_28 = vector.broadcast %add3A_27 : f32 to vector<128x1xf32>
    %add3A_29 = arith.addf %sub3A, %add3A_28 : vector<128x1xf32>
    %div3A = arith.divf %mul3A, %add3A_29 : vector<128x1xf32>
    %min3A_30 = arith.constant 1.000000e-01 : f32
    %min3A_31 = vector.broadcast %min3A_30 : f32 to vector<128x1xf32>
    %min3A_32 = arith.minimumf %get3A_14, %min3A_31 : vector<128x1xf32>
    %min3A_33 = arith.constant 1.400000e-01 : f32
    %min3A_34 = vector.broadcast %min3A_33 : f32 to vector<128x1xf32>
    %min3A_35 = arith.minimumf %get3A_17, %min3A_34 : vector<128x1xf32>
    %mul3A_36 = arith.mulf %min3A_32, %min3A_35 : vector<128x1xf32>
    %mul3A_37 = arith.mulf %get3A_14, %get3A_17 : vector<128x1xf32>
    %add3A_38 = arith.constant 1.400000e-02 : f32
    %add3A_39 = vector.broadcast %add3A_38 : f32 to vector<128x1xf32>
    %add3A_40 = arith.addf %mul3A_37, %add3A_39 : vector<128x1xf32>
    %sub3A_41 = arith.subf %add3A_40, %mul3A_36 : vector<128x1xf32>
    %add3A_42 = arith.constant 1.000000e-16 : f32
    %add3A_43 = vector.broadcast %add3A_42 : f32 to vector<128x1xf32>
    %add3A_44 = arith.addf %sub3A_41, %add3A_43 : vector<128x1xf32>
    %div3A_45 = arith.divf %mul3A_36, %add3A_44 : vector<128x1xf32>
    %min3A_46 = arith.constant 2.000000e-01 : f32
    %min3A_47 = vector.broadcast %min3A_46 : f32 to vector<128x1xf32>
    %min3A_48 = arith.minimumf %get3A_14, %min3A_47 : vector<128x1xf32>
    %min3A_49 = arith.constant 2.800000e-01 : f32
    %min3A_50 = vector.broadcast %min3A_49 : f32 to vector<128x1xf32>
    %min3A_51 = arith.minimumf %get3A_17, %min3A_50 : vector<128x1xf32>
    %mul3A_52 = arith.mulf %min3A_48, %min3A_51 : vector<128x1xf32>
    %mul3A_53 = arith.mulf %get3A_14, %get3A_17 : vector<128x1xf32>
    %add3A_54 = arith.constant 5.600000e-02 : f32
    %add3A_55 = vector.broadcast %add3A_54 : f32 to vector<128x1xf32>
    %add3A_56 = arith.addf %mul3A_53, %add3A_55 : vector<128x1xf32>
    %sub3A_57 = arith.subf %add3A_56, %mul3A_52 : vector<128x1xf32>
    %add3A_58 = arith.constant 1.000000e-16 : f32
    %add3A_59 = vector.broadcast %add3A_58 : f32 to vector<128x1xf32>
    %add3A_60 = arith.addf %sub3A_57, %add3A_59 : vector<128x1xf32>
    %div3A_61 = arith.divf %mul3A_52, %add3A_60 : vector<128x1xf32>
    %ge3A = arith.cmpf oge, %div3A, %div3A_45 : vector<128x1xf32>
    %ge3A_62 = arith.cmpf oge, %div3A, %div3A_61 : vector<128x1xf32>
    %and3A = arith.andi %ge3A, %ge3A_62 : vector<128x1xi1>
    %ge3A_63 = arith.cmpf oge, %div3A_45, %div3A_61 : vector<128x1xf32>
    %jit3A = arith.constant 1 : i32
    %jit3A_64 = arith.constant 2 : i32
    %broadcast_in_dim3A = vector.broadcast %jit3A : i32 to vector<128x1xi32>
    %broadcast_in_dim3A_65 = vector.broadcast %jit3A_64 : i32 to vector<128x1xi32>
    %select_n3A = arith.select %ge3A_63, %broadcast_in_dim3A, %broadcast_in_dim3A_65 : vector<128x1xi1>, vector<128x1xi32>
    %jit3A_66 = arith.constant 0 : i32
    %broadcast_in_dim3A_67 = vector.broadcast %jit3A_66 : i32 to vector<128x1xi32>
    %select_n3A_68 = arith.select %and3A, %broadcast_in_dim3A_67, %select_n3A : vector<128x1xi1>, vector<128x1xi32>
    %gt3A = arith.constant 5.000000e-01 : f32
    %gt3A_69 = vector.broadcast %gt3A : f32 to vector<128x1xf32>
    %gt3A_70 = arith.cmpf ogt, %div3A, %gt3A_69 : vector<128x1xf32>
    %gt3A_71 = arith.constant 5.000000e-01 : f32
    %gt3A_72 = vector.broadcast %gt3A_71 : f32 to vector<128x1xf32>
    %gt3A_73 = arith.cmpf ogt, %div3A_45, %gt3A_72 : vector<128x1xf32>
    %gt3A_74 = arith.constant 5.000000e-01 : f32
    %gt3A_75 = vector.broadcast %gt3A_74 : f32 to vector<128x1xf32>
    %gt3A_76 = arith.cmpf ogt, %div3A_61, %gt3A_75 : vector<128x1xf32>
    %mul3A_77 = arith.constant 5.200000e+01 : f32
    %mul3A_78 = vector.broadcast %mul3A_77 : f32 to vector<128x1xf32>
    %mul3A_79 = arith.mulf %get3A_8, %mul3A_78 : vector<128x1xf32>
    %convert_element_type3A_80 = arith.fptosi %mul3A_79 : vector<128x1xf32> to vector<128x1xi32>
    %mul3A_81 = arith.constant 5.200000e+01 : f32
    %mul3A_82 = vector.broadcast %mul3A_81 : f32 to vector<128x1xf32>
    %mul3A_83 = arith.mulf %get3A_11, %mul3A_82 : vector<128x1xf32>
    %convert_element_type3A_84 = arith.fptosi %mul3A_83 : vector<128x1xf32> to vector<128x1xi32>
    %lt3A = arith.constant 120 : i32
    %lt3A_85 = vector.broadcast %lt3A : i32 to vector<128x1xi32>
    %lt3A_86 = arith.cmpi slt, %iota3A, %lt3A_85 : vector<128x1xi32>
    %mul3A_87 = arith.constant 52 : i32
    %mul3A_88 = vector.broadcast %mul3A_87 : i32 to vector<128x1xi32>
    %mul3A_89 = arith.muli %convert_element_type3A, %mul3A_88 : vector<128x1xi32>
    %add3A_90 = arith.addi %mul3A_89, %convert_element_type3A_84 : vector<128x1xi32>
    %mul3A_91 = arith.constant 52 : i32
    %mul3A_92 = vector.broadcast %mul3A_91 : i32 to vector<128x1xi32>
    %mul3A_93 = arith.muli %add3A_90, %mul3A_92 : vector<128x1xi32>
    %add3A_94 = arith.addi %mul3A_93, %convert_element_type3A_80 : vector<128x1xi32>
    %mul3A_95 = arith.constant 3 : i32
    %mul3A_96 = vector.broadcast %mul3A_95 : i32 to vector<128x1xi32>
    %mul3A_97 = arith.muli %convert_element_type3A, %mul3A_96 : vector<128x1xi32>
    %add3A_98 = arith.addi %mul3A_97, %select_n3A_68 : vector<128x1xi32>
    %mul3A_99 = arith.constant 52 : i32
    %mul3A_100 = vector.broadcast %mul3A_99 : i32 to vector<128x1xi32>
    %mul3A_101 = arith.muli %add3A_98, %mul3A_100 : vector<128x1xi32>
    %add3A_102 = arith.addi %mul3A_101, %convert_element_type3A_84 : vector<128x1xi32>
    %mul3A_103 = arith.constant 52 : i32
    %mul3A_104 = vector.broadcast %mul3A_103 : i32 to vector<128x1xi32>
    %mul3A_105 = arith.muli %add3A_102, %mul3A_104 : vector<128x1xi32>
    %add3A_106 = arith.addi %mul3A_105, %convert_element_type3A_80 : vector<128x1xi32>
    %get3A_107 = arith.constant 0 : index
    %get3A_108 = arith.constant 0 : index
    %get3A_109 = vector.load %arg4[%get3A_107, %get3A_108] : memref<8x128xf32, #tpu.memory_space<vmem>>, vector<1x128xf32>
    %get3A_110 = arith.constant 1 : index
    %get3A_111 = arith.constant 0 : index
    %get3A_112 = vector.load %arg4[%get3A_110, %get3A_111] : memref<8x128xf32, #tpu.memory_space<vmem>>, vector<1x128xf32>
    %get3A_113 = arith.constant 2 : index
    %get3A_114 = arith.constant 0 : index
    %get3A_115 = vector.load %arg4[%get3A_113, %get3A_114] : memref<8x128xf32, #tpu.memory_space<vmem>>, vector<1x128xf32>
    %get3A_116 = arith.constant 3 : index
    %get3A_117 = arith.constant 0 : index
    %get3A_118 = vector.load %arg4[%get3A_116, %get3A_117] : memref<8x128xf32, #tpu.memory_space<vmem>>, vector<1x128xf32>
    %get3A_119 = arith.constant 4 : index
    %get3A_120 = arith.constant 0 : index
    %get3A_121 = vector.load %arg4[%get3A_119, %get3A_120] : memref<8x128xf32, #tpu.memory_space<vmem>>, vector<1x128xf32>
    %get3A_122 = arith.constant 5 : index
    %get3A_123 = arith.constant 0 : index
    %get3A_124 = vector.load %arg4[%get3A_122, %get3A_123] : memref<8x128xf32, #tpu.memory_space<vmem>>, vector<1x128xf32>
    %convert_element_type3A_125 = arith.fptosi %get3A_109 : vector<1x128xf32> to vector<1x128xi32>
    %convert_element_type3A_126 = arith.fptosi %get3A_112 : vector<1x128xf32> to vector<1x128xi32>
    %min3A_127 = arith.constant 5.000000e-02 : f32
    %min3A_128 = vector.broadcast %min3A_127 : f32 to vector<1x128xf32>
    %min3A_129 = arith.minimumf %get3A_121, %min3A_128 : vector<1x128xf32>
    %min3A_130 = arith.constant 7.000000e-02 : f32
    %min3A_131 = vector.broadcast %min3A_130 : f32 to vector<1x128xf32>
    %min3A_132 = arith.minimumf %get3A_124, %min3A_131 : vector<1x128xf32>
    %mul3A_133 = arith.mulf %min3A_129, %min3A_132 : vector<1x128xf32>
    %mul3A_134 = arith.mulf %get3A_121, %get3A_124 : vector<1x128xf32>
    %add3A_135 = arith.constant 3.500000e-03 : f32
    %add3A_136 = vector.broadcast %add3A_135 : f32 to vector<1x128xf32>
    %add3A_137 = arith.addf %mul3A_134, %add3A_136 : vector<1x128xf32>
    %sub3A_138 = arith.subf %add3A_137, %mul3A_133 : vector<1x128xf32>
    %add3A_139 = arith.constant 1.000000e-16 : f32
    %add3A_140 = vector.broadcast %add3A_139 : f32 to vector<1x128xf32>
    %add3A_141 = arith.addf %sub3A_138, %add3A_140 : vector<1x128xf32>
    %div3A_142 = arith.divf %mul3A_133, %add3A_141 : vector<1x128xf32>
    %min3A_143 = arith.constant 1.000000e-01 : f32
    %min3A_144 = vector.broadcast %min3A_143 : f32 to vector<1x128xf32>
    %min3A_145 = arith.minimumf %get3A_121, %min3A_144 : vector<1x128xf32>
    %min3A_146 = arith.constant 1.400000e-01 : f32
    %min3A_147 = vector.broadcast %min3A_146 : f32 to vector<1x128xf32>
    %min3A_148 = arith.minimumf %get3A_124, %min3A_147 : vector<1x128xf32>
    %mul3A_149 = arith.mulf %min3A_145, %min3A_148 : vector<1x128xf32>
    %mul3A_150 = arith.mulf %get3A_121, %get3A_124 : vector<1x128xf32>
    %add3A_151 = arith.constant 1.400000e-02 : f32
    %add3A_152 = vector.broadcast %add3A_151 : f32 to vector<1x128xf32>
    %add3A_153 = arith.addf %mul3A_150, %add3A_152 : vector<1x128xf32>
    %sub3A_154 = arith.subf %add3A_153, %mul3A_149 : vector<1x128xf32>
    %add3A_155 = arith.constant 1.000000e-16 : f32
    %add3A_156 = vector.broadcast %add3A_155 : f32 to vector<1x128xf32>
    %add3A_157 = arith.addf %sub3A_154, %add3A_156 : vector<1x128xf32>
    %div3A_158 = arith.divf %mul3A_149, %add3A_157 : vector<1x128xf32>
    %min3A_159 = arith.constant 2.000000e-01 : f32
    %min3A_160 = vector.broadcast %min3A_159 : f32 to vector<1x128xf32>
    %min3A_161 = arith.minimumf %get3A_121, %min3A_160 : vector<1x128xf32>
    %min3A_162 = arith.constant 2.800000e-01 : f32
    %min3A_163 = vector.broadcast %min3A_162 : f32 to vector<1x128xf32>
    %min3A_164 = arith.minimumf %get3A_124, %min3A_163 : vector<1x128xf32>
    %mul3A_165 = arith.mulf %min3A_161, %min3A_164 : vector<1x128xf32>
    %mul3A_166 = arith.mulf %get3A_121, %get3A_124 : vector<1x128xf32>
    %add3A_167 = arith.constant 5.600000e-02 : f32
    %add3A_168 = vector.broadcast %add3A_167 : f32 to vector<1x128xf32>
    %add3A_169 = arith.addf %mul3A_166, %add3A_168 : vector<1x128xf32>
    %sub3A_170 = arith.subf %add3A_169, %mul3A_165 : vector<1x128xf32>
    %add3A_171 = arith.constant 1.000000e-16 : f32
    %add3A_172 = vector.broadcast %add3A_171 : f32 to vector<1x128xf32>
    %add3A_173 = arith.addf %sub3A_170, %add3A_172 : vector<1x128xf32>
    %div3A_174 = arith.divf %mul3A_165, %add3A_173 : vector<1x128xf32>
    %ge3A_175 = arith.cmpf oge, %div3A_142, %div3A_158 : vector<1x128xf32>
    %ge3A_176 = arith.cmpf oge, %div3A_142, %div3A_174 : vector<1x128xf32>
    %and3A_177 = arith.andi %ge3A_175, %ge3A_176 : vector<1x128xi1>
    %ge3A_178 = arith.cmpf oge, %div3A_158, %div3A_174 : vector<1x128xf32>
    %jit3A_179 = arith.constant 1 : i32
    %jit3A_180 = arith.constant 2 : i32
    %broadcast_in_dim3A_181 = vector.broadcast %jit3A_179 : i32 to vector<1x128xi32>
    %broadcast_in_dim3A_182 = vector.broadcast %jit3A_180 : i32 to vector<1x128xi32>
    %select_n3A_183 = arith.select %ge3A_178, %broadcast_in_dim3A_181, %broadcast_in_dim3A_182 : vector<1x128xi1>, vector<1x128xi32>
    %jit3A_184 = arith.constant 0 : i32
    %broadcast_in_dim3A_185 = vector.broadcast %jit3A_184 : i32 to vector<1x128xi32>
    %select_n3A_186 = arith.select %and3A_177, %broadcast_in_dim3A_185, %select_n3A_183 : vector<1x128xi1>, vector<1x128xi32>
    %gt3A_187 = arith.constant 5.000000e-01 : f32
    %gt3A_188 = vector.broadcast %gt3A_187 : f32 to vector<1x128xf32>
    %gt3A_189 = arith.cmpf ogt, %div3A_142, %gt3A_188 : vector<1x128xf32>
    %gt3A_190 = arith.constant 5.000000e-01 : f32
    %gt3A_191 = vector.broadcast %gt3A_190 : f32 to vector<1x128xf32>
    %gt3A_192 = arith.cmpf ogt, %div3A_158, %gt3A_191 : vector<1x128xf32>
    %gt3A_193 = arith.constant 5.000000e-01 : f32
    %gt3A_194 = vector.broadcast %gt3A_193 : f32 to vector<1x128xf32>
    %gt3A_195 = arith.cmpf ogt, %div3A_174, %gt3A_194 : vector<1x128xf32>
    %mul3A_196 = arith.constant 5.200000e+01 : f32
    %mul3A_197 = vector.broadcast %mul3A_196 : f32 to vector<1x128xf32>
    %mul3A_198 = arith.mulf %get3A_115, %mul3A_197 : vector<1x128xf32>
    %convert_element_type3A_199 = arith.fptosi %mul3A_198 : vector<1x128xf32> to vector<1x128xi32>
    %mul3A_200 = arith.constant 5.200000e+01 : f32
    %mul3A_201 = vector.broadcast %mul3A_200 : f32 to vector<1x128xf32>
    %mul3A_202 = arith.mulf %get3A_118, %mul3A_201 : vector<1x128xf32>
    %convert_element_type3A_203 = arith.fptosi %mul3A_202 : vector<1x128xf32> to vector<1x128xi32>
    %lt3A_204 = arith.constant 120 : i32
    %lt3A_205 = vector.broadcast %lt3A_204 : i32 to vector<1x128xi32>
    %lt3A_206 = arith.cmpi slt, %iota3A_0, %lt3A_205 : vector<1x128xi32>
    %mul3A_207 = arith.constant 52 : i32
    %mul3A_208 = vector.broadcast %mul3A_207 : i32 to vector<1x128xi32>
    %mul3A_209 = arith.muli %convert_element_type3A_125, %mul3A_208 : vector<1x128xi32>
    %add3A_210 = arith.addi %mul3A_209, %convert_element_type3A_203 : vector<1x128xi32>
    %mul3A_211 = arith.constant 52 : i32
    %mul3A_212 = vector.broadcast %mul3A_211 : i32 to vector<1x128xi32>
    %mul3A_213 = arith.muli %add3A_210, %mul3A_212 : vector<1x128xi32>
    %add3A_214 = arith.addi %mul3A_213, %convert_element_type3A_199 : vector<1x128xi32>
    %mul3A_215 = arith.constant 3 : i32
    %mul3A_216 = vector.broadcast %mul3A_215 : i32 to vector<1x128xi32>
    %mul3A_217 = arith.muli %convert_element_type3A_125, %mul3A_216 : vector<1x128xi32>
    %add3A_218 = arith.addi %mul3A_217, %select_n3A_186 : vector<1x128xi32>
    %mul3A_219 = arith.constant 52 : i32
    %mul3A_220 = vector.broadcast %mul3A_219 : i32 to vector<1x128xi32>
    %mul3A_221 = arith.muli %add3A_218, %mul3A_220 : vector<1x128xi32>
    %add3A_222 = arith.addi %mul3A_221, %convert_element_type3A_203 : vector<1x128xi32>
    %mul3A_223 = arith.constant 52 : i32
    %mul3A_224 = vector.broadcast %mul3A_223 : i32 to vector<1x128xi32>
    %mul3A_225 = arith.muli %add3A_222, %mul3A_224 : vector<1x128xi32>
    %add3A_226 = arith.addi %mul3A_225, %convert_element_type3A_199 : vector<1x128xi32>
    %gt3A_227 = vector.broadcast %iota3A_0 : vector<1x128xi32> to vector<128x128xi32>
    %gt3A_228 = vector.broadcast %iota3A : vector<128x1xi32> to vector<128x128xi32>
    %gt3A_229 = arith.cmpi sgt, %gt3A_227, %gt3A_228 : vector<128x128xi32>
    %eq3A = vector.broadcast %add3A_106 : vector<128x1xi32> to vector<128x128xi32>
    %eq3A_230 = vector.broadcast %add3A_226 : vector<1x128xi32> to vector<128x128xi32>
    %eq3A_231 = arith.cmpi eq, %eq3A, %eq3A_230 : vector<128x128xi32>
    %and3A_232 = arith.andi %eq3A_231, %gt3A_229 : vector<128x128xi1>
    %and3A_233 = vector.broadcast %lt3A_206 : vector<1x128xi1> to vector<128x128xi1>
    %and3A_234 = arith.andi %and3A_232, %and3A_233 : vector<128x128xi1>
    %reduce_or3A = arith.constant 1.000000e+00 : f32
    %reduce_or3A_235 = arith.constant 0.000000e+00 : f32
    %reduce_or3A_236 = vector.broadcast %reduce_or3A : f32 to vector<128x128xf32>
    %reduce_or3A_237 = vector.broadcast %reduce_or3A_235 : f32 to vector<128x128xf32>
    %reduce_or3A_238 = arith.select %and3A_234, %reduce_or3A_236, %reduce_or3A_237 : vector<128x128xi1>, vector<128x128xf32>
    %reduce_or3A_239 = arith.constant dense<0xFF800000> : vector<128xf32>
    %reduce_or3A_240 = vector.multi_reduction <maximumf>, %reduce_or3A_238, %reduce_or3A_239 [1] : vector<128x128xf32> to vector<128xf32>
    %reduce_or3A_241 = arith.constant 0.000000e+00 : f32
    %reduce_or3A_242 = vector.broadcast %reduce_or3A_241 : f32 to vector<128xf32>
    %reduce_or3A_243 = arith.cmpf ogt, %reduce_or3A_240, %reduce_or3A_242 : vector<128xf32>
    %broadcast_in_dim3A_244 = vector.shape_cast %reduce_or3A_243 : vector<128xi1> to vector<128x1xi1>
    %not3A = arith.constant dense<true> : vector<128x1xi1>
    %not3A_245 = arith.xori %broadcast_in_dim3A_244, %not3A : vector<128x1xi1>
    %and3A_246 = arith.andi %lt3A_86, %not3A_245 : vector<128x1xi1>
    %eq3A_247 = vector.broadcast %convert_element_type3A_18 : vector<128x1xi32> to vector<128x128xi32>
    %eq3A_248 = vector.broadcast %convert_element_type3A_126 : vector<1x128xi32> to vector<128x128xi32>
    %eq3A_249 = arith.cmpi eq, %eq3A_247, %eq3A_248 : vector<128x128xi32>
    %and3A_250 = arith.andi %and3A_234, %eq3A_249 : vector<128x128xi1>
    %reduce_or3A_251 = arith.constant 1.000000e+00 : f32
    %reduce_or3A_252 = arith.constant 0.000000e+00 : f32
    %reduce_or3A_253 = vector.broadcast %reduce_or3A_251 : f32 to vector<128x128xf32>
    %reduce_or3A_254 = vector.broadcast %reduce_or3A_252 : f32 to vector<128x128xf32>
    %reduce_or3A_255 = arith.select %and3A_250, %reduce_or3A_253, %reduce_or3A_254 : vector<128x128xi1>, vector<128x128xf32>
    %reduce_or3A_256 = arith.constant dense<0xFF800000> : vector<128xf32>
    %reduce_or3A_257 = vector.multi_reduction <maximumf>, %reduce_or3A_255, %reduce_or3A_256 [1] : vector<128x128xf32> to vector<128xf32>
    %reduce_or3A_258 = arith.constant 0.000000e+00 : f32
    %reduce_or3A_259 = vector.broadcast %reduce_or3A_258 : f32 to vector<128xf32>
    %reduce_or3A_260 = arith.cmpf ogt, %reduce_or3A_257, %reduce_or3A_259 : vector<128xf32>
    %broadcast_in_dim3A_261 = vector.shape_cast %reduce_or3A_260 : vector<128xi1> to vector<128x1xi1>
    %not3A_262 = arith.constant dense<true> : vector<128x1xi1>
    %not3A_263 = arith.xori %broadcast_in_dim3A_261, %not3A_262 : vector<128x1xi1>
    %and3A_264 = arith.andi %lt3A_86, %not3A_263 : vector<128x1xi1>
    %eq3A_265 = vector.broadcast %add3A_94 : vector<128x1xi32> to vector<128x128xi32>
    %eq3A_266 = vector.broadcast %add3A_214 : vector<1x128xi32> to vector<128x128xi32>
    %eq3A_267 = arith.cmpi eq, %eq3A_265, %eq3A_266 : vector<128x128xi32>
    %and3A_268 = arith.andi %eq3A_267, %gt3A_229 : vector<128x128xi1>
    %and3A_269 = vector.broadcast %lt3A_206 : vector<1x128xi1> to vector<128x128xi1>
    %and3A_270 = arith.andi %and3A_268, %and3A_269 : vector<128x128xi1>
    %eq3A_271 = arith.constant 0 : i32
    %eq3A_272 = vector.broadcast %eq3A_271 : i32 to vector<128x1xi32>
    %eq3A_273 = arith.cmpi eq, %select_n3A_68, %eq3A_272 : vector<128x1xi32>
    %or3A = arith.ori %gt3A_70, %eq3A_273 : vector<128x1xi1>
    %and3A_274 = arith.andi %lt3A_86, %or3A : vector<128x1xi1>
    %eq3A_275 = arith.constant 0 : i32
    %eq3A_276 = vector.broadcast %eq3A_275 : i32 to vector<1x128xi32>
    %eq3A_277 = arith.cmpi eq, %select_n3A_186, %eq3A_276 : vector<1x128xi32>
    %or3A_278 = arith.ori %gt3A_189, %eq3A_277 : vector<1x128xi1>
    %and3A_279 = arith.andi %lt3A_206, %or3A_278 : vector<1x128xi1>
    %and3A_280 = vector.broadcast %and3A_279 : vector<1x128xi1> to vector<128x128xi1>
    %and3A_281 = arith.andi %and3A_270, %and3A_280 : vector<128x128xi1>
    %reduce_or3A_282 = arith.constant 1.000000e+00 : f32
    %reduce_or3A_283 = arith.constant 0.000000e+00 : f32
    %reduce_or3A_284 = vector.broadcast %reduce_or3A_282 : f32 to vector<128x128xf32>
    %reduce_or3A_285 = vector.broadcast %reduce_or3A_283 : f32 to vector<128x128xf32>
    %reduce_or3A_286 = arith.select %and3A_281, %reduce_or3A_284, %reduce_or3A_285 : vector<128x128xi1>, vector<128x128xf32>
    %reduce_or3A_287 = arith.constant dense<0xFF800000> : vector<128xf32>
    %reduce_or3A_288 = vector.multi_reduction <maximumf>, %reduce_or3A_286, %reduce_or3A_287 [1] : vector<128x128xf32> to vector<128xf32>
    %reduce_or3A_289 = arith.constant 0.000000e+00 : f32
    %reduce_or3A_290 = vector.broadcast %reduce_or3A_289 : f32 to vector<128xf32>
    %reduce_or3A_291 = arith.cmpf ogt, %reduce_or3A_288, %reduce_or3A_290 : vector<128xf32>
    %broadcast_in_dim3A_292 = vector.shape_cast %reduce_or3A_291 : vector<128xi1> to vector<128x1xi1>
    %not3A_293 = arith.constant dense<true> : vector<128x1xi1>
    %not3A_294 = arith.xori %broadcast_in_dim3A_292, %not3A_293 : vector<128x1xi1>
    %and3A_295 = arith.andi %and3A_274, %not3A_294 : vector<128x1xi1>
    %convert_element_type3A_296 = arith.extui %and3A_295 : vector<128x1xi1> to vector<128x1xi32>
    %convert_element_type3A_297 = arith.sitofp %convert_element_type3A_296 : vector<128x1xi32> to vector<128x1xf32>
    %reduce_sum3A = vector.shape_cast %convert_element_type3A_297 : vector<128x1xf32> to vector<1x128x1xf32>
    %reduce_sum3A_298 = arith.constant dense<0.000000e+00> : vector<1xf32>
    %reduce_sum3A_299 = vector.multi_reduction <add>, %reduce_sum3A, %reduce_sum3A_298 [1, 2] : vector<1x128x1xf32> to vector<1xf32>
    %reduce_sum3A_300 = vector.shape_cast %reduce_sum3A_299 : vector<1xf32> to vector<1x1x1xf32>
    %reduce_sum3A_301 = vector.extract %reduce_sum3A_300[0, 0, 0] : f32 from vector<1x1x1xf32>
    %add3A_302 = arith.constant 0.000000e+00 : f32
    %add3A_303 = arith.addf %add3A_302, %reduce_sum3A_301 : f32
    %get3A_304 = arith.constant 0 : index
    %get3A_305 = arith.constant 4 : index
    %get3A_306 = vector.load %arg2[%get3A_304, %get3A_305] : memref<128x255xf32, #tpu.memory_space<vmem>>, vector<128x1xf32>
    %logistic3A = arith.negf %get3A_306 : vector<128x1xf32>
    %logistic3A_307 = math.exp %logistic3A : vector<128x1xf32>
    %logistic3A_308 = arith.constant 1.000000e+00 : f32
    %logistic3A_309 = vector.broadcast %logistic3A_308 : f32 to vector<128x1xf32>
    %logistic3A_310 = arith.addf %logistic3A_309, %logistic3A_307 : vector<128x1xf32>
    %logistic3A_311 = arith.divf %logistic3A_309, %logistic3A_310 : vector<128x1xf32>
    %jit3A_312 = arith.constant 1.000000e-07 : f32
    %jit3A_313 = arith.constant 0.99999988 : f32
    %max3A = vector.broadcast %jit3A_312 : f32 to vector<128x1xf32>
    %max3A_314 = arith.maximumf %max3A, %logistic3A_311 : vector<128x1xf32>
    %min3A_315 = vector.broadcast %jit3A_313 : f32 to vector<128x1xf32>
    %min3A_316 = arith.minimumf %min3A_315, %max3A_314 : vector<128x1xf32>
    %sub3A_317 = arith.constant 1.000000e+00 : f32
    %sub3A_318 = vector.broadcast %sub3A_317 : f32 to vector<128x1xf32>
    %sub3A_319 = arith.subf %sub3A_318, %min3A_316 : vector<128x1xf32>
    %log3A = math.log %sub3A_319 : vector<128x1xf32>
    %neg3A = arith.constant 0.000000e+00 : f32
    %neg3A_320 = vector.broadcast %neg3A : f32 to vector<128x1xf32>
    %neg3A_321 = arith.subf %neg3A_320, %log3A : vector<128x1xf32>
    %jit3A_322 = arith.constant 0.000000e+00 : f32
    %broadcast_in_dim3A_323 = vector.broadcast %jit3A_322 : f32 to vector<128x1xf32>
    %select_n3A_324 = arith.select %and3A_295, %neg3A_321, %broadcast_in_dim3A_323 : vector<128x1xi1>, vector<128x1xf32>
    %reduce_sum3A_325 = vector.shape_cast %select_n3A_324 : vector<128x1xf32> to vector<1x128x1xf32>
    %reduce_sum3A_326 = arith.constant dense<0.000000e+00> : vector<1xf32>
    %reduce_sum3A_327 = vector.multi_reduction <add>, %reduce_sum3A_325, %reduce_sum3A_326 [1, 2] : vector<1x128x1xf32> to vector<1xf32>
    %reduce_sum3A_328 = vector.shape_cast %reduce_sum3A_327 : vector<1xf32> to vector<1x1x1xf32>
    %reduce_sum3A_329 = vector.extract %reduce_sum3A_328[0, 0, 0] : f32 from vector<1x1x1xf32>
    %add3A_330 = arith.constant 0.000000e+00 : f32
    %add3A_331 = arith.addf %add3A_330, %reduce_sum3A_329 : f32
    %eq3A_332 = arith.constant 1 : i32
    %eq3A_333 = vector.broadcast %eq3A_332 : i32 to vector<128x1xi32>
    %eq3A_334 = arith.cmpi eq, %select_n3A_68, %eq3A_333 : vector<128x1xi32>
    %or3A_335 = arith.ori %gt3A_73, %eq3A_334 : vector<128x1xi1>
    %and3A_336 = arith.andi %lt3A_86, %or3A_335 : vector<128x1xi1>
    %eq3A_337 = arith.constant 1 : i32
    %eq3A_338 = vector.broadcast %eq3A_337 : i32 to vector<1x128xi32>
    %eq3A_339 = arith.cmpi eq, %select_n3A_186, %eq3A_338 : vector<1x128xi32>
    %or3A_340 = arith.ori %gt3A_192, %eq3A_339 : vector<1x128xi1>
    %and3A_341 = arith.andi %lt3A_206, %or3A_340 : vector<1x128xi1>
    %and3A_342 = vector.broadcast %and3A_341 : vector<1x128xi1> to vector<128x128xi1>
    %and3A_343 = arith.andi %and3A_270, %and3A_342 : vector<128x128xi1>
    %reduce_or3A_344 = arith.constant 1.000000e+00 : f32
    %reduce_or3A_345 = arith.constant 0.000000e+00 : f32
    %reduce_or3A_346 = vector.broadcast %reduce_or3A_344 : f32 to vector<128x128xf32>
    %reduce_or3A_347 = vector.broadcast %reduce_or3A_345 : f32 to vector<128x128xf32>
    %reduce_or3A_348 = arith.select %and3A_343, %reduce_or3A_346, %reduce_or3A_347 : vector<128x128xi1>, vector<128x128xf32>
    %reduce_or3A_349 = arith.constant dense<0xFF800000> : vector<128xf32>
    %reduce_or3A_350 = vector.multi_reduction <maximumf>, %reduce_or3A_348, %reduce_or3A_349 [1] : vector<128x128xf32> to vector<128xf32>
    %reduce_or3A_351 = arith.constant 0.000000e+00 : f32
    %reduce_or3A_352 = vector.broadcast %reduce_or3A_351 : f32 to vector<128xf32>
    %reduce_or3A_353 = arith.cmpf ogt, %reduce_or3A_350, %reduce_or3A_352 : vector<128xf32>
    %broadcast_in_dim3A_354 = vector.shape_cast %reduce_or3A_353 : vector<128xi1> to vector<128x1xi1>
    %not3A_355 = arith.constant dense<true> : vector<128x1xi1>
    %not3A_356 = arith.xori %broadcast_in_dim3A_354, %not3A_355 : vector<128x1xi1>
    %and3A_357 = arith.andi %and3A_336, %not3A_356 : vector<128x1xi1>
    %convert_element_type3A_358 = arith.extui %and3A_357 : vector<128x1xi1> to vector<128x1xi32>
    %convert_element_type3A_359 = arith.sitofp %convert_element_type3A_358 : vector<128x1xi32> to vector<128x1xf32>
    %reduce_sum3A_360 = vector.shape_cast %convert_element_type3A_359 : vector<128x1xf32> to vector<1x128x1xf32>
    %reduce_sum3A_361 = arith.constant dense<0.000000e+00> : vector<1xf32>
    %reduce_sum3A_362 = vector.multi_reduction <add>, %reduce_sum3A_360, %reduce_sum3A_361 [1, 2] : vector<1x128x1xf32> to vector<1xf32>
    %reduce_sum3A_363 = vector.shape_cast %reduce_sum3A_362 : vector<1xf32> to vector<1x1x1xf32>
    %reduce_sum3A_364 = vector.extract %reduce_sum3A_363[0, 0, 0] : f32 from vector<1x1x1xf32>
    %add3A_365 = arith.addf %add3A_303, %reduce_sum3A_364 : f32
    %get3A_366 = arith.constant 0 : index
    %get3A_367 = arith.constant 89 : index
    %get3A_368 = vector.load %arg2[%get3A_366, %get3A_367] : memref<128x255xf32, #tpu.memory_space<vmem>>, vector<128x1xf32>
    %logistic3A_369 = arith.negf %get3A_368 : vector<128x1xf32>
    %logistic3A_370 = math.exp %logistic3A_369 : vector<128x1xf32>
    %logistic3A_371 = arith.constant 1.000000e+00 : f32
    %logistic3A_372 = vector.broadcast %logistic3A_371 : f32 to vector<128x1xf32>
    %logistic3A_373 = arith.addf %logistic3A_372, %logistic3A_370 : vector<128x1xf32>
    %logistic3A_374 = arith.divf %logistic3A_372, %logistic3A_373 : vector<128x1xf32>
    %jit3A_375 = arith.constant 1.000000e-07 : f32
    %jit3A_376 = arith.constant 0.99999988 : f32
    %max3A_377 = vector.broadcast %jit3A_375 : f32 to vector<128x1xf32>
    %max3A_378 = arith.maximumf %max3A_377, %logistic3A_374 : vector<128x1xf32>
    %min3A_379 = vector.broadcast %jit3A_376 : f32 to vector<128x1xf32>
    %min3A_380 = arith.minimumf %min3A_379, %max3A_378 : vector<128x1xf32>
    %sub3A_381 = arith.constant 1.000000e+00 : f32
    %sub3A_382 = vector.broadcast %sub3A_381 : f32 to vector<128x1xf32>
    %sub3A_383 = arith.subf %sub3A_382, %min3A_380 : vector<128x1xf32>
    %log3A_384 = math.log %sub3A_383 : vector<128x1xf32>
    %neg3A_385 = arith.constant 0.000000e+00 : f32
    %neg3A_386 = vector.broadcast %neg3A_385 : f32 to vector<128x1xf32>
    %neg3A_387 = arith.subf %neg3A_386, %log3A_384 : vector<128x1xf32>
    %jit3A_388 = arith.constant 0.000000e+00 : f32
    %broadcast_in_dim3A_389 = vector.broadcast %jit3A_388 : f32 to vector<128x1xf32>
    %select_n3A_390 = arith.select %and3A_357, %neg3A_387, %broadcast_in_dim3A_389 : vector<128x1xi1>, vector<128x1xf32>
    %reduce_sum3A_391 = vector.shape_cast %select_n3A_390 : vector<128x1xf32> to vector<1x128x1xf32>
    %reduce_sum3A_392 = arith.constant dense<0.000000e+00> : vector<1xf32>
    %reduce_sum3A_393 = vector.multi_reduction <add>, %reduce_sum3A_391, %reduce_sum3A_392 [1, 2] : vector<1x128x1xf32> to vector<1xf32>
    %reduce_sum3A_394 = vector.shape_cast %reduce_sum3A_393 : vector<1xf32> to vector<1x1x1xf32>
    %reduce_sum3A_395 = vector.extract %reduce_sum3A_394[0, 0, 0] : f32 from vector<1x1x1xf32>
    %add3A_396 = arith.addf %add3A_331, %reduce_sum3A_395 : f32
    %eq3A_397 = arith.constant 2 : i32
    %eq3A_398 = vector.broadcast %eq3A_397 : i32 to vector<128x1xi32>
    %eq3A_399 = arith.cmpi eq, %select_n3A_68, %eq3A_398 : vector<128x1xi32>
    %or3A_400 = arith.ori %gt3A_76, %eq3A_399 : vector<128x1xi1>
    %and3A_401 = arith.andi %lt3A_86, %or3A_400 : vector<128x1xi1>
    %eq3A_402 = arith.constant 2 : i32
    %eq3A_403 = vector.broadcast %eq3A_402 : i32 to vector<1x128xi32>
    %eq3A_404 = arith.cmpi eq, %select_n3A_186, %eq3A_403 : vector<1x128xi32>
    %or3A_405 = arith.ori %gt3A_195, %eq3A_404 : vector<1x128xi1>
    %and3A_406 = arith.andi %lt3A_206, %or3A_405 : vector<1x128xi1>
    %and3A_407 = vector.broadcast %and3A_406 : vector<1x128xi1> to vector<128x128xi1>
    %and3A_408 = arith.andi %and3A_270, %and3A_407 : vector<128x128xi1>
    %reduce_or3A_409 = arith.constant 1.000000e+00 : f32
    %reduce_or3A_410 = arith.constant 0.000000e+00 : f32
    %reduce_or3A_411 = vector.broadcast %reduce_or3A_409 : f32 to vector<128x128xf32>
    %reduce_or3A_412 = vector.broadcast %reduce_or3A_410 : f32 to vector<128x128xf32>
    %reduce_or3A_413 = arith.select %and3A_408, %reduce_or3A_411, %reduce_or3A_412 : vector<128x128xi1>, vector<128x128xf32>
    %reduce_or3A_414 = arith.constant dense<0xFF800000> : vector<128xf32>
    %reduce_or3A_415 = vector.multi_reduction <maximumf>, %reduce_or3A_413, %reduce_or3A_414 [1] : vector<128x128xf32> to vector<128xf32>
    %reduce_or3A_416 = arith.constant 0.000000e+00 : f32
    %reduce_or3A_417 = vector.broadcast %reduce_or3A_416 : f32 to vector<128xf32>
    %reduce_or3A_418 = arith.cmpf ogt, %reduce_or3A_415, %reduce_or3A_417 : vector<128xf32>
    %broadcast_in_dim3A_419 = vector.shape_cast %reduce_or3A_418 : vector<128xi1> to vector<128x1xi1>
    %not3A_420 = arith.constant dense<true> : vector<128x1xi1>
    %not3A_421 = arith.xori %broadcast_in_dim3A_419, %not3A_420 : vector<128x1xi1>
    %and3A_422 = arith.andi %and3A_401, %not3A_421 : vector<128x1xi1>
    %convert_element_type3A_423 = arith.extui %and3A_422 : vector<128x1xi1> to vector<128x1xi32>
    %convert_element_type3A_424 = arith.sitofp %convert_element_type3A_423 : vector<128x1xi32> to vector<128x1xf32>
    %reduce_sum3A_425 = vector.shape_cast %convert_element_type3A_424 : vector<128x1xf32> to vector<1x128x1xf32>
    %reduce_sum3A_426 = arith.constant dense<0.000000e+00> : vector<1xf32>
    %reduce_sum3A_427 = vector.multi_reduction <add>, %reduce_sum3A_425, %reduce_sum3A_426 [1, 2] : vector<1x128x1xf32> to vector<1xf32>
    %reduce_sum3A_428 = vector.shape_cast %reduce_sum3A_427 : vector<1xf32> to vector<1x1x1xf32>
    %reduce_sum3A_429 = vector.extract %reduce_sum3A_428[0, 0, 0] : f32 from vector<1x1x1xf32>
    %add3A_430 = arith.addf %add3A_365, %reduce_sum3A_429 : f32
    %get3A_431 = arith.constant 0 : index
    %get3A_432 = arith.constant 174 : index
    %get3A_433 = vector.load %arg2[%get3A_431, %get3A_432] : memref<128x255xf32, #tpu.memory_space<vmem>>, vector<128x1xf32>
    %logistic3A_434 = arith.negf %get3A_433 : vector<128x1xf32>
    %logistic3A_435 = math.exp %logistic3A_434 : vector<128x1xf32>
    %logistic3A_436 = arith.constant 1.000000e+00 : f32
    %logistic3A_437 = vector.broadcast %logistic3A_436 : f32 to vector<128x1xf32>
    %logistic3A_438 = arith.addf %logistic3A_437, %logistic3A_435 : vector<128x1xf32>
    %logistic3A_439 = arith.divf %logistic3A_437, %logistic3A_438 : vector<128x1xf32>
    %jit3A_440 = arith.constant 1.000000e-07 : f32
    %jit3A_441 = arith.constant 0.99999988 : f32
    %max3A_442 = vector.broadcast %jit3A_440 : f32 to vector<128x1xf32>
    %max3A_443 = arith.maximumf %max3A_442, %logistic3A_439 : vector<128x1xf32>
    %min3A_444 = vector.broadcast %jit3A_441 : f32 to vector<128x1xf32>
    %min3A_445 = arith.minimumf %min3A_444, %max3A_443 : vector<128x1xf32>
    %sub3A_446 = arith.constant 1.000000e+00 : f32
    %sub3A_447 = vector.broadcast %sub3A_446 : f32 to vector<128x1xf32>
    %sub3A_448 = arith.subf %sub3A_447, %min3A_445 : vector<128x1xf32>
    %log3A_449 = math.log %sub3A_448 : vector<128x1xf32>
    %neg3A_450 = arith.constant 0.000000e+00 : f32
    %neg3A_451 = vector.broadcast %neg3A_450 : f32 to vector<128x1xf32>
    %neg3A_452 = arith.subf %neg3A_451, %log3A_449 : vector<128x1xf32>
    %jit3A_453 = arith.constant 0.000000e+00 : f32
    %broadcast_in_dim3A_454 = vector.broadcast %jit3A_453 : f32 to vector<128x1xf32>
    %select_n3A_455 = arith.select %and3A_422, %neg3A_452, %broadcast_in_dim3A_454 : vector<128x1xi1>, vector<128x1xf32>
    %reduce_sum3A_456 = vector.shape_cast %select_n3A_455 : vector<128x1xf32> to vector<1x128x1xf32>
    %reduce_sum3A_457 = arith.constant dense<0.000000e+00> : vector<1xf32>
    %reduce_sum3A_458 = vector.multi_reduction <add>, %reduce_sum3A_456, %reduce_sum3A_457 [1, 2] : vector<1x128x1xf32> to vector<1xf32>
    %reduce_sum3A_459 = vector.shape_cast %reduce_sum3A_458 : vector<1xf32> to vector<1x1x1xf32>
    %reduce_sum3A_460 = vector.extract %reduce_sum3A_459[0, 0, 0] : f32 from vector<1x1x1xf32>
    %add3A_461 = arith.addf %add3A_396, %reduce_sum3A_460 : f32
    %convert_element_type3A_462 = arith.extui %and3A_246 : vector<128x1xi1> to vector<128x1xi32>
    %convert_element_type3A_463 = arith.sitofp %convert_element_type3A_462 : vector<128x1xi32> to vector<128x1xf32>
    %reduce_sum3A_464 = vector.shape_cast %convert_element_type3A_463 : vector<128x1xf32> to vector<1x128x1xf32>
    %reduce_sum3A_465 = arith.constant dense<0.000000e+00> : vector<1xf32>
    %reduce_sum3A_466 = vector.multi_reduction <add>, %reduce_sum3A_464, %reduce_sum3A_465 [1, 2] : vector<1x128x1xf32> to vector<1xf32>
    %reduce_sum3A_467 = vector.shape_cast %reduce_sum3A_466 : vector<1xf32> to vector<1x1x1xf32>
    %reduce_sum3A_468 = vector.extract %reduce_sum3A_467[0, 0, 0] : f32 from vector<1x1x1xf32>
    %max3A_469 = arith.constant 1.000000e+00 : f32
    %max3A_470 = arith.maximumf %reduce_sum3A_468, %max3A_469 : f32
    %sub3A_471 = arith.constant 1.297920e+05 : f32
    %sub3A_472 = arith.subf %sub3A_471, %add3A_430 : f32
    %max3A_473 = arith.constant 1.000000e+00 : f32
    %max3A_474 = arith.maximumf %sub3A_472, %max3A_473 : f32
    %get3A_475 = arith.constant 0 : index
    %get3A_476 = arith.constant 0 : index
    %get3A_477 = memref.load %arg1[%get3A_475, %get3A_476] : memref<1x1xf32, #tpu.memory_space<smem>>
    %sub3A_478 = arith.subf %get3A_477, %add3A_461 : f32
    %mul3A_479 = arith.constant 1.000000e+02 : f32
    %mul3A_480 = arith.mulf %mul3A_479, %sub3A_478 : f32
    %div3A_481 = arith.divf %mul3A_480, %max3A_474 : f32
    %get3A_482 = arith.constant 0 : index
    %get3A_483 = arith.constant 0 : index
    %get3A_484 = vector.load %arg2[%get3A_482, %get3A_483] : memref<128x255xf32, #tpu.memory_space<vmem>>, vector<128x1xf32>
    %get3A_485 = arith.constant 0 : index
    %get3A_486 = arith.constant 85 : index
    %get3A_487 = vector.load %arg2[%get3A_485, %get3A_486] : memref<128x255xf32, #tpu.memory_space<vmem>>, vector<128x1xf32>
    %get3A_488 = arith.constant 0 : index
    %get3A_489 = arith.constant 170 : index
    %get3A_490 = vector.load %arg2[%get3A_488, %get3A_489] : memref<128x255xf32, #tpu.memory_space<vmem>>, vector<128x1xf32>
    %eq3A_491 = arith.constant 0 : i32
    %eq3A_492 = vector.broadcast %eq3A_491 : i32 to vector<128x1xi32>
    %eq3A_493 = arith.cmpi eq, %select_n3A_68, %eq3A_492 : vector<128x1xi32>
    %eq3A_494 = arith.constant 1 : i32
    %eq3A_495 = vector.broadcast %eq3A_494 : i32 to vector<128x1xi32>
    %eq3A_496 = arith.cmpi eq, %select_n3A_68, %eq3A_495 : vector<128x1xi32>
    %select_n3A_497 = arith.select %eq3A_496, %get3A_487, %get3A_490 : vector<128x1xi1>, vector<128x1xf32>
    %select_n3A_498 = arith.select %eq3A_493, %get3A_484, %select_n3A_497 : vector<128x1xi1>, vector<128x1xf32>
    %get3A_499 = arith.constant 0 : index
    %get3A_500 = arith.constant 1 : index
    %get3A_501 = vector.load %arg2[%get3A_499, %get3A_500] : memref<128x255xf32, #tpu.memory_space<vmem>>, vector<128x1xf32>
    %get3A_502 = arith.constant 0 : index
    %get3A_503 = arith.constant 86 : index
    %get3A_504 = vector.load %arg2[%get3A_502, %get3A_503] : memref<128x255xf32, #tpu.memory_space<vmem>>, vector<128x1xf32>
    %get3A_505 = arith.constant 0 : index
    %get3A_506 = arith.constant 171 : index
    %get3A_507 = vector.load %arg2[%get3A_505, %get3A_506] : memref<128x255xf32, #tpu.memory_space<vmem>>, vector<128x1xf32>
    %eq3A_508 = arith.constant 0 : i32
    %eq3A_509 = vector.broadcast %eq3A_508 : i32 to vector<128x1xi32>
    %eq3A_510 = arith.cmpi eq, %select_n3A_68, %eq3A_509 : vector<128x1xi32>
    %eq3A_511 = arith.constant 1 : i32
    %eq3A_512 = vector.broadcast %eq3A_511 : i32 to vector<128x1xi32>
    %eq3A_513 = arith.cmpi eq, %select_n3A_68, %eq3A_512 : vector<128x1xi32>
    %select_n3A_514 = arith.select %eq3A_513, %get3A_504, %get3A_507 : vector<128x1xi1>, vector<128x1xf32>
    %select_n3A_515 = arith.select %eq3A_510, %get3A_501, %select_n3A_514 : vector<128x1xi1>, vector<128x1xf32>
    %get3A_516 = arith.constant 0 : index
    %get3A_517 = arith.constant 2 : index
    %get3A_518 = vector.load %arg2[%get3A_516, %get3A_517] : memref<128x255xf32, #tpu.memory_space<vmem>>, vector<128x1xf32>
    %get3A_519 = arith.constant 0 : index
    %get3A_520 = arith.constant 87 : index
    %get3A_521 = vector.load %arg2[%get3A_519, %get3A_520] : memref<128x255xf32, #tpu.memory_space<vmem>>, vector<128x1xf32>
    %get3A_522 = arith.constant 0 : index
    %get3A_523 = arith.constant 172 : index
    %get3A_524 = vector.load %arg2[%get3A_522, %get3A_523] : memref<128x255xf32, #tpu.memory_space<vmem>>, vector<128x1xf32>
    %eq3A_525 = arith.constant 0 : i32
    %eq3A_526 = vector.broadcast %eq3A_525 : i32 to vector<128x1xi32>
    %eq3A_527 = arith.cmpi eq, %select_n3A_68, %eq3A_526 : vector<128x1xi32>
    %eq3A_528 = arith.constant 1 : i32
    %eq3A_529 = vector.broadcast %eq3A_528 : i32 to vector<128x1xi32>
    %eq3A_530 = arith.cmpi eq, %select_n3A_68, %eq3A_529 : vector<128x1xi32>
    %select_n3A_531 = arith.select %eq3A_530, %get3A_521, %get3A_524 : vector<128x1xi1>, vector<128x1xf32>
    %select_n3A_532 = arith.select %eq3A_527, %get3A_518, %select_n3A_531 : vector<128x1xi1>, vector<128x1xf32>
    %get3A_533 = arith.constant 0 : index
    %get3A_534 = arith.constant 3 : index
    %get3A_535 = vector.load %arg2[%get3A_533, %get3A_534] : memref<128x255xf32, #tpu.memory_space<vmem>>, vector<128x1xf32>
    %get3A_536 = arith.constant 0 : index
    %get3A_537 = arith.constant 88 : index
    %get3A_538 = vector.load %arg2[%get3A_536, %get3A_537] : memref<128x255xf32, #tpu.memory_space<vmem>>, vector<128x1xf32>
    %get3A_539 = arith.constant 0 : index
    %get3A_540 = arith.constant 173 : index
    %get3A_541 = vector.load %arg2[%get3A_539, %get3A_540] : memref<128x255xf32, #tpu.memory_space<vmem>>, vector<128x1xf32>
    %eq3A_542 = arith.constant 0 : i32
    %eq3A_543 = vector.broadcast %eq3A_542 : i32 to vector<128x1xi32>
    %eq3A_544 = arith.cmpi eq, %select_n3A_68, %eq3A_543 : vector<128x1xi32>
    %eq3A_545 = arith.constant 1 : i32
    %eq3A_546 = vector.broadcast %eq3A_545 : i32 to vector<128x1xi32>
    %eq3A_547 = arith.cmpi eq, %select_n3A_68, %eq3A_546 : vector<128x1xi32>
    %select_n3A_548 = arith.select %eq3A_547, %get3A_538, %get3A_541 : vector<128x1xi1>, vector<128x1xf32>
    %select_n3A_549 = arith.select %eq3A_544, %get3A_535, %select_n3A_548 : vector<128x1xi1>, vector<128x1xf32>
    %get3A_550 = arith.constant 0 : index
    %get3A_551 = arith.constant 4 : index
    %get3A_552 = vector.load %arg2[%get3A_550, %get3A_551] : memref<128x255xf32, #tpu.memory_space<vmem>>, vector<128x1xf32>
    %get3A_553 = arith.constant 0 : index
    %get3A_554 = arith.constant 89 : index
    %get3A_555 = vector.load %arg2[%get3A_553, %get3A_554] : memref<128x255xf32, #tpu.memory_space<vmem>>, vector<128x1xf32>
    %get3A_556 = arith.constant 0 : index
    %get3A_557 = arith.constant 174 : index
    %get3A_558 = vector.load %arg2[%get3A_556, %get3A_557] : memref<128x255xf32, #tpu.memory_space<vmem>>, vector<128x1xf32>
    %eq3A_559 = arith.constant 0 : i32
    %eq3A_560 = vector.broadcast %eq3A_559 : i32 to vector<128x1xi32>
    %eq3A_561 = arith.cmpi eq, %select_n3A_68, %eq3A_560 : vector<128x1xi32>
    %eq3A_562 = arith.constant 1 : i32
    %eq3A_563 = vector.broadcast %eq3A_562 : i32 to vector<128x1xi32>
    %eq3A_564 = arith.cmpi eq, %select_n3A_68, %eq3A_563 : vector<128x1xi32>
    %select_n3A_565 = arith.select %eq3A_564, %get3A_555, %get3A_558 : vector<128x1xi1>, vector<128x1xf32>
    %select_n3A_566 = arith.select %eq3A_561, %get3A_552, %select_n3A_565 : vector<128x1xi1>, vector<128x1xf32>
    %mul3A_567 = arith.constant 5.200000e+01 : f32
    %mul3A_568 = vector.broadcast %mul3A_567 : f32 to vector<128x1xf32>
    %mul3A_569 = arith.mulf %get3A_8, %mul3A_568 : vector<128x1xf32>
    %mul3A_570 = arith.constant 5.200000e+01 : f32
    %mul3A_571 = vector.broadcast %mul3A_570 : f32 to vector<128x1xf32>
    %mul3A_572 = arith.mulf %get3A_8, %mul3A_571 : vector<128x1xf32>
    %floor3A = math.floor %mul3A_572 : vector<128x1xf32>
    %sub3A_573 = arith.subf %mul3A_569, %floor3A : vector<128x1xf32>
    %mul3A_574 = arith.constant 5.200000e+01 : f32
    %mul3A_575 = vector.broadcast %mul3A_574 : f32 to vector<128x1xf32>
    %mul3A_576 = arith.mulf %get3A_11, %mul3A_575 : vector<128x1xf32>
    %mul3A_577 = arith.constant 5.200000e+01 : f32
    %mul3A_578 = vector.broadcast %mul3A_577 : f32 to vector<128x1xf32>
    %mul3A_579 = arith.mulf %get3A_11, %mul3A_578 : vector<128x1xf32>
    %floor3A_580 = math.floor %mul3A_579 : vector<128x1xf32>
    %sub3A_581 = arith.subf %mul3A_576, %floor3A_580 : vector<128x1xf32>
    %eq3A_582 = arith.constant 0 : i32
    %eq3A_583 = vector.broadcast %eq3A_582 : i32 to vector<128x1xi32>
    %eq3A_584 = arith.cmpi eq, %select_n3A_68, %eq3A_583 : vector<128x1xi32>
    %eq3A_585 = arith.constant 1 : i32
    %eq3A_586 = vector.broadcast %eq3A_585 : i32 to vector<128x1xi32>
    %eq3A_587 = arith.cmpi eq, %select_n3A_68, %eq3A_586 : vector<128x1xi32>
    %jit3A_588 = arith.constant 1.000000e-01 : f32
    %jit3A_589 = arith.constant 2.000000e-01 : f32
    %broadcast_in_dim3A_590 = vector.broadcast %jit3A_588 : f32 to vector<128x1xf32>
    %broadcast_in_dim3A_591 = vector.broadcast %jit3A_589 : f32 to vector<128x1xf32>
    %select_n3A_592 = arith.select %eq3A_587, %broadcast_in_dim3A_590, %broadcast_in_dim3A_591 : vector<128x1xi1>, vector<128x1xf32>
    %jit3A_593 = arith.constant 5.000000e-02 : f32
    %broadcast_in_dim3A_594 = vector.broadcast %jit3A_593 : f32 to vector<128x1xf32>
    %select_n3A_595 = arith.select %eq3A_584, %broadcast_in_dim3A_594, %select_n3A_592 : vector<128x1xi1>, vector<128x1xf32>
    %eq3A_596 = arith.constant 0 : i32
    %eq3A_597 = vector.broadcast %eq3A_596 : i32 to vector<128x1xi32>
    %eq3A_598 = arith.cmpi eq, %select_n3A_68, %eq3A_597 : vector<128x1xi32>
    %eq3A_599 = arith.constant 1 : i32
    %eq3A_600 = vector.broadcast %eq3A_599 : i32 to vector<128x1xi32>
    %eq3A_601 = arith.cmpi eq, %select_n3A_68, %eq3A_600 : vector<128x1xi32>
    %jit3A_602 = arith.constant 1.400000e-01 : f32
    %jit3A_603 = arith.constant 2.800000e-01 : f32
    %broadcast_in_dim3A_604 = vector.broadcast %jit3A_602 : f32 to vector<128x1xf32>
    %broadcast_in_dim3A_605 = vector.broadcast %jit3A_603 : f32 to vector<128x1xf32>
    %select_n3A_606 = arith.select %eq3A_601, %broadcast_in_dim3A_604, %broadcast_in_dim3A_605 : vector<128x1xi1>, vector<128x1xf32>
    %jit3A_607 = arith.constant 7.000000e-02 : f32
    %broadcast_in_dim3A_608 = vector.broadcast %jit3A_607 : f32 to vector<128x1xf32>
    %select_n3A_609 = arith.select %eq3A_598, %broadcast_in_dim3A_608, %select_n3A_606 : vector<128x1xi1>, vector<128x1xf32>
    %div3A_610 = arith.divf %get3A_14, %select_n3A_595 : vector<128x1xf32>
    %jit3A_611 = arith.constant 1.000000e+00 : f32
    %broadcast_in_dim3A_612 = vector.broadcast %jit3A_611 : f32 to vector<128x1xf32>
    %select_n3A_613 = arith.select %and3A_246, %div3A_610, %broadcast_in_dim3A_612 : vector<128x1xi1>, vector<128x1xf32>
    %div3A_614 = arith.divf %get3A_17, %select_n3A_609 : vector<128x1xf32>
    %jit3A_615 = arith.constant 1.000000e+00 : f32
    %broadcast_in_dim3A_616 = vector.broadcast %jit3A_615 : f32 to vector<128x1xf32>
    %select_n3A_617 = arith.select %and3A_246, %div3A_614, %broadcast_in_dim3A_616 : vector<128x1xi1>, vector<128x1xf32>
    %logistic3A_618 = arith.negf %select_n3A_498 : vector<128x1xf32>
    %logistic3A_619 = math.exp %logistic3A_618 : vector<128x1xf32>
    %logistic3A_620 = arith.constant 1.000000e+00 : f32
    %logistic3A_621 = vector.broadcast %logistic3A_620 : f32 to vector<128x1xf32>
    %logistic3A_622 = arith.addf %logistic3A_621, %logistic3A_619 : vector<128x1xf32>
    %logistic3A_623 = arith.divf %logistic3A_621, %logistic3A_622 : vector<128x1xf32>
    %sub3A_624 = arith.subf %logistic3A_623, %sub3A_573 : vector<128x1xf32>
    %integer_pow3A = arith.mulf %sub3A_624, %sub3A_624 : vector<128x1xf32>
    %mul3A_625 = arith.mulf %convert_element_type3A_463, %integer_pow3A : vector<128x1xf32>
    %reduce_sum3A_626 = vector.shape_cast %mul3A_625 : vector<128x1xf32> to vector<1x128x1xf32>
    %reduce_sum3A_627 = arith.constant dense<0.000000e+00> : vector<1xf32>
    %reduce_sum3A_628 = vector.multi_reduction <add>, %reduce_sum3A_626, %reduce_sum3A_627 [1, 2] : vector<1x128x1xf32> to vector<1xf32>
    %reduce_sum3A_629 = vector.shape_cast %reduce_sum3A_628 : vector<1xf32> to vector<1x1x1xf32>
    %reduce_sum3A_630 = vector.extract %reduce_sum3A_629[0, 0, 0] : f32 from vector<1x1x1xf32>
    %div3A_631 = arith.divf %reduce_sum3A_630, %max3A_470 : f32
    %logistic3A_632 = arith.negf %select_n3A_515 : vector<128x1xf32>
    %logistic3A_633 = math.exp %logistic3A_632 : vector<128x1xf32>
    %logistic3A_634 = arith.constant 1.000000e+00 : f32
    %logistic3A_635 = vector.broadcast %logistic3A_634 : f32 to vector<128x1xf32>
    %logistic3A_636 = arith.addf %logistic3A_635, %logistic3A_633 : vector<128x1xf32>
    %logistic3A_637 = arith.divf %logistic3A_635, %logistic3A_636 : vector<128x1xf32>
    %sub3A_638 = arith.subf %logistic3A_637, %sub3A_581 : vector<128x1xf32>
    %integer_pow3A_639 = arith.mulf %sub3A_638, %sub3A_638 : vector<128x1xf32>
    %mul3A_640 = arith.mulf %convert_element_type3A_463, %integer_pow3A_639 : vector<128x1xf32>
    %reduce_sum3A_641 = vector.shape_cast %mul3A_640 : vector<128x1xf32> to vector<1x128x1xf32>
    %reduce_sum3A_642 = arith.constant dense<0.000000e+00> : vector<1xf32>
    %reduce_sum3A_643 = vector.multi_reduction <add>, %reduce_sum3A_641, %reduce_sum3A_642 [1, 2] : vector<1x128x1xf32> to vector<1xf32>
    %reduce_sum3A_644 = vector.shape_cast %reduce_sum3A_643 : vector<1xf32> to vector<1x1x1xf32>
    %reduce_sum3A_645 = vector.extract %reduce_sum3A_644[0, 0, 0] : f32 from vector<1x1x1xf32>
    %div3A_646 = arith.divf %reduce_sum3A_645, %max3A_470 : f32
    %log3A_647 = math.log %select_n3A_613 : vector<128x1xf32>
    %sub3A_648 = arith.subf %select_n3A_532, %log3A_647 : vector<128x1xf32>
    %integer_pow3A_649 = arith.mulf %sub3A_648, %sub3A_648 : vector<128x1xf32>
    %mul3A_650 = arith.mulf %convert_element_type3A_463, %integer_pow3A_649 : vector<128x1xf32>
    %reduce_sum3A_651 = vector.shape_cast %mul3A_650 : vector<128x1xf32> to vector<1x128x1xf32>
    %reduce_sum3A_652 = arith.constant dense<0.000000e+00> : vector<1xf32>
    %reduce_sum3A_653 = vector.multi_reduction <add>, %reduce_sum3A_651, %reduce_sum3A_652 [1, 2] : vector<1x128x1xf32> to vector<1xf32>
    %reduce_sum3A_654 = vector.shape_cast %reduce_sum3A_653 : vector<1xf32> to vector<1x1x1xf32>
    %reduce_sum3A_655 = vector.extract %reduce_sum3A_654[0, 0, 0] : f32 from vector<1x1x1xf32>
    %div3A_656 = arith.divf %reduce_sum3A_655, %max3A_470 : f32
    %log3A_657 = math.log %select_n3A_617 : vector<128x1xf32>
    %sub3A_658 = arith.subf %select_n3A_549, %log3A_657 : vector<128x1xf32>
    %integer_pow3A_659 = arith.mulf %sub3A_658, %sub3A_658 : vector<128x1xf32>
    %mul3A_660 = arith.mulf %convert_element_type3A_463, %integer_pow3A_659 : vector<128x1xf32>
    %reduce_sum3A_661 = vector.shape_cast %mul3A_660 : vector<128x1xf32> to vector<1x128x1xf32>
    %reduce_sum3A_662 = arith.constant dense<0.000000e+00> : vector<1xf32>
    %reduce_sum3A_663 = vector.multi_reduction <add>, %reduce_sum3A_661, %reduce_sum3A_662 [1, 2] : vector<1x128x1xf32> to vector<1xf32>
    %reduce_sum3A_664 = vector.shape_cast %reduce_sum3A_663 : vector<1xf32> to vector<1x1x1xf32>
    %reduce_sum3A_665 = vector.extract %reduce_sum3A_664[0, 0, 0] : f32 from vector<1x1x1xf32>
    %div3A_666 = arith.divf %reduce_sum3A_665, %max3A_470 : f32
    %logistic3A_667 = arith.negf %select_n3A_566 : vector<128x1xf32>
    %logistic3A_668 = math.exp %logistic3A_667 : vector<128x1xf32>
    %logistic3A_669 = arith.constant 1.000000e+00 : f32
    %logistic3A_670 = vector.broadcast %logistic3A_669 : f32 to vector<128x1xf32>
    %logistic3A_671 = arith.addf %logistic3A_670, %logistic3A_668 : vector<128x1xf32>
    %logistic3A_672 = arith.divf %logistic3A_670, %logistic3A_671 : vector<128x1xf32>
    %jit3A_673 = arith.constant 1.000000e-07 : f32
    %jit3A_674 = arith.constant 0.99999988 : f32
    %max3A_675 = vector.broadcast %jit3A_673 : f32 to vector<128x1xf32>
    %max3A_676 = arith.maximumf %max3A_675, %logistic3A_672 : vector<128x1xf32>
    %min3A_677 = vector.broadcast %jit3A_674 : f32 to vector<128x1xf32>
    %min3A_678 = arith.minimumf %min3A_677, %max3A_676 : vector<128x1xf32>
    %log3A_679 = math.log %min3A_678 : vector<128x1xf32>
    %neg3A_680 = arith.constant 0.000000e+00 : f32
    %neg3A_681 = vector.broadcast %neg3A_680 : f32 to vector<128x1xf32>
    %neg3A_682 = arith.subf %neg3A_681, %log3A_679 : vector<128x1xf32>
    %mul3A_683 = arith.mulf %convert_element_type3A_463, %neg3A_682 : vector<128x1xf32>
    %reduce_sum3A_684 = vector.shape_cast %mul3A_683 : vector<128x1xf32> to vector<1x128x1xf32>
    %reduce_sum3A_685 = arith.constant dense<0.000000e+00> : vector<1xf32>
    %reduce_sum3A_686 = vector.multi_reduction <add>, %reduce_sum3A_684, %reduce_sum3A_685 [1, 2] : vector<1x128x1xf32> to vector<1xf32>
    %reduce_sum3A_687 = vector.shape_cast %reduce_sum3A_686 : vector<1xf32> to vector<1x1x1xf32>
    %reduce_sum3A_688 = vector.extract %reduce_sum3A_687[0, 0, 0] : f32 from vector<1x1x1xf32>
    %div3A_689 = arith.divf %reduce_sum3A_688, %max3A_470 : f32
    %get3A_690 = arith.constant 0 : index
    %get3A_691 = arith.constant 5 : index
    %get3A_692 = vector.load %arg2[%get3A_690, %get3A_691] : memref<128x255xf32, #tpu.memory_space<vmem>>, vector<128x80xf32>
    %get3A_693 = arith.constant 0 : index
    %get3A_694 = arith.constant 90 : index
    %get3A_695 = vector.load %arg2[%get3A_693, %get3A_694] : memref<128x255xf32, #tpu.memory_space<vmem>>, vector<128x80xf32>
    %get3A_696 = arith.constant 0 : index
    %get3A_697 = arith.constant 175 : index
    %get3A_698 = vector.load %arg2[%get3A_696, %get3A_697] : memref<128x255xf32, #tpu.memory_space<vmem>>, vector<128x80xf32>
    %eq3A_699 = arith.constant 0 : i32
    %eq3A_700 = vector.broadcast %eq3A_699 : i32 to vector<128x1xi32>
    %eq3A_701 = arith.cmpi eq, %select_n3A_68, %eq3A_700 : vector<128x1xi32>
    %eq3A_702 = arith.constant 1 : i32
    %eq3A_703 = vector.broadcast %eq3A_702 : i32 to vector<128x1xi32>
    %eq3A_704 = arith.cmpi eq, %select_n3A_68, %eq3A_703 : vector<128x1xi32>
    %broadcast_in_dim3A_705 = vector.shape_cast %eq3A_704 : vector<128x1xi1> to vector<128x1xi1>
    %broadcast_in_dim3A_706 = vector.broadcast %broadcast_in_dim3A_705 : vector<128x1xi1> to vector<128x80xi1>
    %select_n3A_707 = arith.select %broadcast_in_dim3A_706, %get3A_695, %get3A_698 : vector<128x80xi1>, vector<128x80xf32>
    %broadcast_in_dim3A_708 = vector.shape_cast %eq3A_701 : vector<128x1xi1> to vector<128x1xi1>
    %broadcast_in_dim3A_709 = vector.broadcast %broadcast_in_dim3A_708 : vector<128x1xi1> to vector<128x80xi1>
    %select_n3A_710 = arith.select %broadcast_in_dim3A_709, %get3A_692, %select_n3A_707 : vector<128x80xi1>, vector<128x80xf32>
    %logistic3A_711 = arith.negf %select_n3A_710 : vector<128x80xf32>
    %logistic3A_712 = math.exp %logistic3A_711 : vector<128x80xf32>
    %logistic3A_713 = arith.constant 1.000000e+00 : f32
    %logistic3A_714 = vector.broadcast %logistic3A_713 : f32 to vector<128x80xf32>
    %logistic3A_715 = arith.addf %logistic3A_714, %logistic3A_712 : vector<128x80xf32>
    %logistic3A_716 = arith.divf %logistic3A_714, %logistic3A_715 : vector<128x80xf32>
    %jit3A_717 = arith.constant 1.000000e-07 : f32
    %jit3A_718 = arith.constant 0.99999988 : f32
    %max3A_719 = vector.broadcast %jit3A_717 : f32 to vector<128x80xf32>
    %max3A_720 = arith.maximumf %max3A_719, %logistic3A_716 : vector<128x80xf32>
    %min3A_721 = vector.broadcast %jit3A_718 : f32 to vector<128x80xf32>
    %min3A_722 = arith.minimumf %min3A_721, %max3A_720 : vector<128x80xf32>
    %sub3A_723 = arith.constant 1.000000e+00 : f32
    %sub3A_724 = vector.broadcast %sub3A_723 : f32 to vector<128x80xf32>
    %sub3A_725 = arith.subf %sub3A_724, %min3A_722 : vector<128x80xf32>
    %log3A_726 = math.log %sub3A_725 : vector<128x80xf32>
    %neg3A_727 = arith.constant 0.000000e+00 : f32
    %neg3A_728 = vector.broadcast %neg3A_727 : f32 to vector<128x80xf32>
    %neg3A_729 = arith.subf %neg3A_728, %log3A_726 : vector<128x80xf32>
    %reduce_sum3A_730 = arith.constant dense<0.000000e+00> : vector<128xf32>
    %reduce_sum3A_731 = vector.multi_reduction <add>, %neg3A_729, %reduce_sum3A_730 [1] : vector<128x80xf32> to vector<128xf32>
    %broadcast_in_dim3A_732 = vector.shape_cast %reduce_sum3A_731 : vector<128xf32> to vector<128x1xf32>
    %mul3A_733 = arith.mulf %convert_element_type3A_463, %broadcast_in_dim3A_732 : vector<128x1xf32>
    %reduce_sum3A_734 = vector.shape_cast %mul3A_733 : vector<128x1xf32> to vector<1x128x1xf32>
    %reduce_sum3A_735 = arith.constant dense<0.000000e+00> : vector<1xf32>
    %reduce_sum3A_736 = vector.multi_reduction <add>, %reduce_sum3A_734, %reduce_sum3A_735 [1, 2] : vector<1x128x1xf32> to vector<1xf32>
    %reduce_sum3A_737 = vector.shape_cast %reduce_sum3A_736 : vector<1xf32> to vector<1x1x1xf32>
    %reduce_sum3A_738 = vector.extract %reduce_sum3A_737[0, 0, 0] : f32 from vector<1x1x1xf32>
    %iota3A_739 = tpu.iota {dimensions = array<i32: 1>} : vector<1x80xi32>
    %eq3A_740 = vector.broadcast %iota3A_739 : vector<1x80xi32> to vector<128x80xi32>
    %eq3A_741 = vector.broadcast %convert_element_type3A_18 : vector<128x1xi32> to vector<128x80xi32>
    %eq3A_742 = arith.cmpi eq, %eq3A_740, %eq3A_741 : vector<128x80xi32>
    %jit3A_743 = arith.constant 0.000000e+00 : f32
    %broadcast_in_dim3A_744 = vector.broadcast %jit3A_743 : f32 to vector<128x80xf32>
    %select_n3A_745 = arith.select %eq3A_742, %select_n3A_710, %broadcast_in_dim3A_744 : vector<128x80xi1>, vector<128x80xf32>
    %reduce_sum3A_746 = arith.constant dense<0.000000e+00> : vector<128xf32>
    %reduce_sum3A_747 = vector.multi_reduction <add>, %select_n3A_745, %reduce_sum3A_746 [1] : vector<128x80xf32> to vector<128xf32>
    %broadcast_in_dim3A_748 = vector.shape_cast %reduce_sum3A_747 : vector<128xf32> to vector<128x1xf32>
    %logistic3A_749 = arith.negf %broadcast_in_dim3A_748 : vector<128x1xf32>
    %logistic3A_750 = math.exp %logistic3A_749 : vector<128x1xf32>
    %logistic3A_751 = arith.constant 1.000000e+00 : f32
    %logistic3A_752 = vector.broadcast %logistic3A_751 : f32 to vector<128x1xf32>
    %logistic3A_753 = arith.addf %logistic3A_752, %logistic3A_750 : vector<128x1xf32>
    %logistic3A_754 = arith.divf %logistic3A_752, %logistic3A_753 : vector<128x1xf32>
    %jit3A_755 = arith.constant 1.000000e-07 : f32
    %jit3A_756 = arith.constant 0.99999988 : f32
    %max3A_757 = vector.broadcast %jit3A_755 : f32 to vector<128x1xf32>
    %max3A_758 = arith.maximumf %max3A_757, %logistic3A_754 : vector<128x1xf32>
    %min3A_759 = vector.broadcast %jit3A_756 : f32 to vector<128x1xf32>
    %min3A_760 = arith.minimumf %min3A_759, %max3A_758 : vector<128x1xf32>
    %log3A_761 = math.log %min3A_760 : vector<128x1xf32>
    %neg3A_762 = arith.constant 0.000000e+00 : f32
    %neg3A_763 = vector.broadcast %neg3A_762 : f32 to vector<128x1xf32>
    %neg3A_764 = arith.subf %neg3A_763, %log3A_761 : vector<128x1xf32>
    %logistic3A_765 = arith.negf %broadcast_in_dim3A_748 : vector<128x1xf32>
    %logistic3A_766 = math.exp %logistic3A_765 : vector<128x1xf32>
    %logistic3A_767 = arith.constant 1.000000e+00 : f32
    %logistic3A_768 = vector.broadcast %logistic3A_767 : f32 to vector<128x1xf32>
    %logistic3A_769 = arith.addf %logistic3A_768, %logistic3A_766 : vector<128x1xf32>
    %logistic3A_770 = arith.divf %logistic3A_768, %logistic3A_769 : vector<128x1xf32>
    %jit3A_771 = arith.constant 1.000000e-07 : f32
    %jit3A_772 = arith.constant 0.99999988 : f32
    %max3A_773 = vector.broadcast %jit3A_771 : f32 to vector<128x1xf32>
    %max3A_774 = arith.maximumf %max3A_773, %logistic3A_770 : vector<128x1xf32>
    %min3A_775 = vector.broadcast %jit3A_772 : f32 to vector<128x1xf32>
    %min3A_776 = arith.minimumf %min3A_775, %max3A_774 : vector<128x1xf32>
    %sub3A_777 = arith.constant 1.000000e+00 : f32
    %sub3A_778 = vector.broadcast %sub3A_777 : f32 to vector<128x1xf32>
    %sub3A_779 = arith.subf %sub3A_778, %min3A_776 : vector<128x1xf32>
    %log3A_780 = math.log %sub3A_779 : vector<128x1xf32>
    %neg3A_781 = arith.constant 0.000000e+00 : f32
    %neg3A_782 = vector.broadcast %neg3A_781 : f32 to vector<128x1xf32>
    %neg3A_783 = arith.subf %neg3A_782, %log3A_780 : vector<128x1xf32>
    %sub3A_784 = arith.subf %neg3A_764, %neg3A_783 : vector<128x1xf32>
    %jit3A_785 = arith.constant 0.000000e+00 : f32
    %broadcast_in_dim3A_786 = vector.broadcast %jit3A_785 : f32 to vector<128x1xf32>
    %select_n3A_787 = arith.select %and3A_264, %sub3A_784, %broadcast_in_dim3A_786 : vector<128x1xi1>, vector<128x1xf32>
    %reduce_sum3A_788 = vector.shape_cast %select_n3A_787 : vector<128x1xf32> to vector<1x128x1xf32>
    %reduce_sum3A_789 = arith.constant dense<0.000000e+00> : vector<1xf32>
    %reduce_sum3A_790 = vector.multi_reduction <add>, %reduce_sum3A_788, %reduce_sum3A_789 [1, 2] : vector<1x128x1xf32> to vector<1xf32>
    %reduce_sum3A_791 = vector.shape_cast %reduce_sum3A_790 : vector<1xf32> to vector<1x1x1xf32>
    %reduce_sum3A_792 = vector.extract %reduce_sum3A_791[0, 0, 0] : f32 from vector<1x1x1xf32>
    %add3A_793 = arith.addf %reduce_sum3A_738, %reduce_sum3A_792 : f32
    %mul3A_794 = arith.constant 8.000000e+01 : f32
    %mul3A_795 = arith.mulf %max3A_470, %mul3A_794 : f32
    %div3A_796 = arith.divf %add3A_793, %mul3A_795 : f32
    %add3A_797 = arith.addf %div3A_631, %div3A_646 : f32
    %add3A_798 = arith.addf %add3A_797, %div3A_656 : f32
    %add3A_799 = arith.addf %add3A_798, %div3A_666 : f32
    %add3A_800 = arith.addf %add3A_799, %div3A_689 : f32
    %add3A_801 = arith.addf %add3A_800, %div3A_481 : f32
    %add3A_802 = arith.addf %add3A_801, %div3A_796 : f32
    %broadcast_in_dim3A_803 = vector.broadcast %add3A_802 : f32 to vector<1x1xf32>
    %swap3A = arith.constant 0 : index
    %swap3A_804 = arith.constant 0 : index
    %swap3A_805 = vector.load %arg5[%swap3A, %swap3A_804] : memref<1x1xf32, #tpu.memory_space<vmem>>, vector<1x1xf32>
    tpu.vector_store %arg5[%swap3A, %swap3A_804], %broadcast_in_dim3A_803 {strides = array<i32>} : memref<1x1xf32, #tpu.memory_space<vmem>>, vector<1x1xf32>,
    return
  }
  func.func @transform_0(%arg0: i32) -> (i32, i32) {
    %c0_i32 = arith.constant 0 : i32
    %c0_i32_0 = arith.constant 0 : i32
    %c0_i32_1 = arith.constant 0 : i32
    return %c0_i32, %c0_i32_0 : i32, i32
  }
  func.func @transform_1(%arg0: i32) -> (i32, i32) {
    %c0_i32 = arith.constant 0 : i32
    %c0_i32_0 = arith.constant 0 : i32
    %c0_i32_1 = arith.constant 0 : i32
    return %c0_i32, %c0_i32_0 : i32, i32
  }
  func.func @transform_2(%arg0: i32) -> (i32, i32) {
    %c0_i32 = arith.constant 0 : i32
    %c0_i32_0 = arith.constant 0 : i32
    %c0_i32_1 = arith.constant 0 : i32
    return %c0_i32, %c0_i32_0 : i32, i32
  }
  func.func @transform_3(%arg0: i32) -> (i32, i32) {
    %c0_i32 = arith.constant 0 : i32
    %c0_i32_0 = arith.constant 0 : i32
    %c0_i32_1 = arith.constant 0 : i32
    return %c0_i32, %c0_i32_0 : i32, i32
  }
  func.func @transform_4(%arg0: i32) -> (i32, i32) {
    %c0_i32 = arith.constant 0 : i32
    %c0_i32_0 = arith.constant 0 : i32
    %c0_i32_1 = arith.constant 0 : i32
    return %c0_i32, %c0_i32_0 : i32, i32
  }
}

</mosaic_0001>

<sc_bundles>
// kernel: kernel.5.cloned.1.call-start
scs
__scs_entry_jumppad:
0x0: {  	(pc) =	sbr.rel $0x88, $3  }
0x1: {  	(tag) =	ssettag $0x0;
	lr =	simm.s32 $0x1  }
0x2: {  	[smem:$0x3F9F] =	sst lr;
	_ =	strace $0xD0000000  }
0x3: {  	_ = 	snop  }
0x4: {  	_ = 	snop  }
0x5: {  	_ = 	snop  }
0x6: {  	_ = 	snop  }
0x7: {  	_ = 	snop  }
__scs_overlays_trampoline_lowered:
0x8: {  	[smem:$0x3FAE] =	sst s0  }
0x9: {  	[smem:$0x3FAF] =	sst s1  }
0xa: {  	[smem:$0x3FB0] =	sst s2  }
0xb: {  	[smem:$0x3FB1] =	sst s3  }
0xc: {  	[smem:$0x3FB2] =	sst s4  }
0xd: {  	[smem:$0x3FB3] =	sst s5  }
0xe: {  	[smem:$0x3FB4] =	sst s6  }
0xf: {  	[smem:$0x3FB5] =	sst s7  }
0x10: {  	[smem:$0x3FB6] =	sst s8  }
0x11: {  	[smem:$0x3FB7] =	sst s9;
	s0 =	simm.s32 @!p0 $0x0  }
0x12: {  	s1 =	sld [smem:$0x3F9D];
	s0 =	simm.s32 @p0 $0x1  }
0x13: {  	[smem:$0x3FB8] =	sst s0;
	s0 =	simm.s32 @!p1 $0x0  }
0x14: {  	s2 =	sld [smem:$0x3F9C];
	s0 =	simm.s32 @p1 $0x1  }
0x15: {  	[smem:$0x3FB9] =	sst s0;
	s0 =	simm.s32 @!p2 $0x0  }
0x16: {  	s3 =	sld [smem:$0x3FDB];
	s0 =	simm.s32 @p2 $0x1  }
0x17: {  	s4 =	simm.s32 $0x1BF5;
	[smem:$0x3FBB] =	sst s0  }
0x18: {  	s0 =	sld [smem:$0x3F9E];
	_ =	swait.ge [sflag:s4], $0x0  }
0x19: {  	s7 =	sld [smem:$0x3F9F]  }
0x1a: {  	s8 =	sadd.s32 $0xFFFFE003, lr  }
0x1b: {  	s9 =	sadd.s32 $0xFFFFFEF7, lr;
	s5 =	simm.s32 $0xFFFFFFFF;
	p2 =	slt.u32 s8, $0xFFFFF086  }
0x1c: {  	p1 =	slt.u32 s9, $0xF7A;
	s5 =	simm.s32 @!p2 $0x0  }
0x1d: {  	s5 =	simm.s32 @p1 $0x1;
	p0 =	seq.s32 s7, s2  }
0x1e: {  	s7 =	smul.u32 @!p0 $0xF7A, s2;
	p2 =	seq.s32 @!p0 s5, $0x0  }
0x1f: {  	s9 =	smul.u32 $0xF7A, s1;
	s8 =	simm.s32 @!p0 $0x1BF5;
	p2 =	por !p2, p0  }
0x20: {  	[sflag:s8] =	ssyncset.s32 @!p0 $0xFFFFF086;
	s6 =	sadd.s32 @!p0 s3, s7;
	s7 =	simm.s32 @!p0 $0x108  }
0x21: {  	s3 =	sadd.s32 s3, s9;
	s6 =	sadd.s32 @!p0 $0x88, s6;
	s7 =	simm.s32 @p2 $0x1082  }
0x22: {  	[simem:s7], [sflag:s8] =	dma.local @!p0 [hbm:s6], $0xF7A  }
0x23: {  	s9 =	sor.u32 $0xD0000000, s2;
	s6 =	simm.s32 $0x108;
	_ =	swait.ge @!p0 [sflag:s8], $0x0  }
0x24: {  	s3 =	sadd.s32 $0x88, s3;
	s6 =	simm.s32 @!p1 $0x1082;
	[sflag:s4] =	ssyncset.s32 $0xFFFFF086  }
0x25: {  	[simem:s6], [sflag:s4] =	dma.local [hbm:s3], $0xF7A  }
0x26: {  	[smem:$0x3F9F] =	sst s1;
	(tag) =	ssettag s2;
	_ =	strace s9  }
0x27: {  	s1 =	sld [smem:$0x3FAF]  }
0x28: {  	s2 =	sld [smem:$0x3FB0]  }
0x29: {  	s4 =	sld [smem:$0x3FB2]  }
0x2a: {  	p0 =	seq.s32 s5, $0x0;
	s5 =	sld [smem:$0x3FB3]  }
0x2b: {  	s6 =	sld [smem:$0x3FB4]  }
0x2c: {  	s7 =	sld [smem:$0x3FB5]  }
0x2d: {  	s3 =	simm.s32 $0x108;
	s8 =	sld [smem:$0x3FB6]  }
0x2e: {  	s3 =	simm.s32 @!p0 $0x1082;
	s9 =	sld [smem:$0x3FB7]  }
0x2f: {  	lr =	sadd.s32 s0, s3;
	s0 =	sld [smem:$0x3FAE]  }
0x30: {  	s3 =	sld [smem:$0x3FB1]  }
0x31: {  	[smem:$0x3FBA] =	sst s10  }
0x32: {  	s10 =	sld [smem:$0x3FB8];
	_ =	sdelay $0x3  }
0x33: {  	p0 =	seq.s32 s10, $0x1;
	s10 =	sld [smem:$0x3FBA];
	_ =	sdelay $0x3  }
0x34: {  	[smem:$0x3FBA] =	sst s10  }
0x35: {  	s10 =	sld [smem:$0x3FB9];
	_ =	sdelay $0x3  }
0x36: {  	p1 =	seq.s32 s10, $0x1;
	s10 =	sld [smem:$0x3FBA];
	_ =	sdelay $0x3  }
0x37: {  	[smem:$0x3FBA] =	sst s10  }
0x38: {  	s10 =	sld [smem:$0x3FBB]  }
0x39: {  	_ = 	snop;
	(pc) =	sbr.ind lr, $3  }
0x3a: {  	_ = 	snop  }
0x3b: {  	_ = 	snop  }
0x3c: {  	p2 =	seq.s32 s10, $0x1;
	s10 =	sld [smem:$0x3FBA]  }
0x3d: {  	_ =	shalt  }
0x3e: {  	_ =	shalt  }
0x3f: {  	_ =	shalt  }
0x40: {  	_ =	shalt  }
0x41: {  	_ =	shalt  }
0x42: {  	_ =	shalt  }
0x43: {  	_ =	shalt  }
0x44: {  	_ =	shalt  }
0x45: {  	_ =	shalt  }
0x46: {  	_ =	shalt  }
0x47: {  	_ =	shalt  }
0x48: {  	_ =	shalt  }
0x49: {  	_ =	shalt  }
0x4a: {  	_ =	shalt  }
0x4b: {  	_ =	shalt  }
0x4c: {  	_ =	shalt  }
0x4d: {  	_ =	shalt  }
0x4e: {  	_ =	shalt  }
0x4f: {  	_ =	shalt  }
0x50: {  	_ =	shalt  }
0x51: {  	_ =	shalt  }
0x52: {  	_ =	shalt  }
0x53: {  	_ =	shalt  }
0x54: {  	_ =	shalt  }
0x55: {  	_ =	shalt  }
0x56: {  	_ =	shalt  }
0x57: {  	_ =	shalt  }
0x58: {  	_ =	shalt  }
0x59: {  	_ =	shalt  }
0x5a: {  	_ =	shalt  }
0x5b: {  	_ =	shalt  }
0x5c: {  	_ =	shalt  }
0x5d: {  	_ =	shalt  }
0x5e: {  	_ =	shalt  }
0x5f: {  	_ =	shalt  }
0x60: {  	_ =	shalt  }
0x61: {  	_ =	shalt  }
0x62: {  	_ =	shalt  }
0x63: {  	_ =	shalt  }
0x64: {  	_ =	shalt  }
0x65: {  	_ =	shalt  }
0x66: {  	_ =	shalt  }
0x67: {  	_ =	shalt  }
0x68: {  	_ =	shalt  }
0x69: {  	_ =	shalt  }
0x6a: {  	_ =	shalt  }
0x6b: {  	_ =	shalt  }
0x6c: {  	_ =	shalt  }
0x6d: {  	_ =	shalt  }
0x6e: {  	_ =	shalt  }
0x6f: {  	_ =	shalt  }
0x70: {  	_ =	shalt  }
0x71: {  	_ =	shalt  }
0x72: {  	_ =	shalt  }
0x73: {  	_ =	shalt  }
0x74: {  	_ =	shalt  }
0x75: {  	_ =	shalt  }
0x76: {  	_ =	shalt  }
0x77: {  	_ =	shalt  }
0x78: {  	_ =	shalt  }
0x79: {  	_ =	shalt  }
0x7a: {  	_ =	shalt  }
0x7b: {  	_ =	shalt  }
0x7c: {  	_ =	shalt  }
0x7d: {  	_ =	shalt  }
0x7e: {  	_ =	shalt  }
0x7f: {  	_ =	shalt  }
0x80: {  	_ =	shalt  }
0x81: {  	_ =	shalt  }
0x82: {  	_ =	shalt  }
0x83: {  	_ =	shalt  }
0x84: {  	_ =	shalt  }
0x85: {  	_ =	shalt  }
0x86: {  	_ =	shalt  }
0x87: {  	_ =	shalt  }
.Lfunc_end0:
.L_simem_size_0:
called_computation_lowered:
.L_overlay_start_0:
0x88: {  	s0 =	sld [smem:$0x3FD9]  }
0x89: {  	s1 =	sld [smem:$0x3FFE];
	_ =	sdelay $0x3  }
0x8a: {  	s0 =	sadd.s32 s1, s0  }
0x8b: {  	[smem:$0x3FC6] =	sst s0  }
0x8c: {  	_ = 	snop  }
0x8d: {  	s0 =	sld [smem:$0x3FC9];
	(tm) =	ssettm $0x1  }
0x8e: {  	s16 =	sld [smem:$0x3FFB];
	_ =	sdelay $0x3  }
0x8f: {  	_ =	strace s16  }
0x90: {  	s1 =	sld [smem:$0x3FFC];
	_ =	sdelay $0x3  }
0x91: {  	_ =	strace s1  }
0x92: {  	s1 =	sld [smem:$0x3FFD];
	_ =	sdelay $0x3  }
0x93: {  	_ =	strace s1  }
0x94: {  	_ =	strace $0x8FFFFFFF  }
0x95: {  	s17 =	sld [smem:$0x3FDB];
	_ =	sdelay $0x1  }
0x96: {  	s2 =	simm.s32 $_scs_section_size  }
0x97: {  	s3 =	simm.s32 $_size__tile_overlayer_lowered;
	s4 =	simm.s32 $_tile_overlayer_lowered  }
0x98: {  	s20 =	simm.s32 $0x1BFF;
	s19 =	sshll.u32 s4, $0x1;
	s1 =	sadd.s32 s2, s17  }
0x99: {  	s5 =	simm.s32 $0x0;
	s18 =	sshll.u32 s3, $0x1;
	s3 =	sadd.s32 s19, s1  }
0x9a: {  	[timem:s5], [sflag:s20] =	dma.local [hbm:s3], s18  }
0x9b: {  	_ =	swait.ge [sflag:s20], s18  }
0x9c: {  	s2 =	ssub.s32 $0x0, s18;
	[sflag:s20] =	ssyncset.done $0x0  }
0x9d: {  	[sflag:s20] =	ssyncadd.s32 s2;
	_ =	sdelay $0x1  }
0x9e: {  	s21 =	simm.s32 $0x1B8B  }
0x9f: {  	_ =	swait.ge [sflag:s21], $0x1  }
0xa0: {  	[sflag:s21] =	ssyncset.done $0x0  }
0xa1: {  	s23 =	simm.s32 $0x1B8E;
	s22 =	sld [smem:$0x3FFE];
	[sflag:s21] =	ssyncadd.s32 $0xFFFFFFFF  }
0xa2: {  	s24 =	simm.s32 $execute0_lowered;
	[smem:$0x3FD2] =	sst s23  }
0xa3: {  	s3 =	sshll.u32 s24, $0x1;
	_ =	strace $0x80000046;
	[dreg:$0x1] =	wrdreg $0xFFFFFFFF  }
0xa4: {  	s25 =	simm.s32 $_size_execute0_lowered;
	s1 =	sadd.s32 s1, s3;
	[dreg:$0x0] =	wrdreg $0x0  }
0xa5: {  	s3 =	sshll.u32 s25, $0x1;
	[dreg:$0x2] =	wrdreg s1  }
0xa6: {  	[dreg:$0x3] =	wrdreg s3  }
0xa7: {  	[dreg:$0x4] =	wrdreg $0xC0  }
0xa8: {  	_ =	task [dreg:s5], $0x5FFFF  }
0xa9: {  	[dreg:$0x1] =	wrdreg $0xFFFFFFFF  }
0xaa: {  	[dreg:$0x0] =	wrdreg $0x60  }
0xab: {  	[dreg:$0x2] =	wrdreg s0  }
0xac: {  	[dreg:$0x3] =	wrdreg s22  }
0xad: {  	[dreg:$0x4] =	wrdreg $0x9  }
0xae: {  	_ =	task.clear_ibuf [dreg:s5], $0x5FFFF;
	_ =	strace $0x90000046  }
0xaf: {  	s26 =	simm.s32 $0x9;
	_ =	strace $0x80000048  }
0xb0: {  	_ =	swait.ge [sflag:s26], $0x1  }
0xb1: {  	[sflag:s26] =	ssyncadd.s32 $0xFFFFFFFF  }
0xb2: {  	_ =	strace $0x90000048  }
0xb3: {  	_ =	sfence  }
0xb4: {  	s28 =	sld [smem:$0x0];
	_ =	sdelay $0x1  }
0xb5: {  	s29 =	srdreg.scid  }
0xb6: {  	s30 =	sshll.u32 s29, $0xD;
	s31 =	sshrl.u32 s29, $0x2  }
0xb7: {  	s2 =	sand.u32 $0x4000, s30;
	s1 =	sand.u32 $0x1, s29;
	s0 =	sadd.s32 s31, s28  }
0xb8: {  	s1 =	sor.u32 s2, s1;
	s0 =	sshll.u32 s0, $0x11  }
0xb9: {  	s0 =	sor.u32 s0, s1  }
0xba: {  	s0 =	sadd.s32 $0x8F2B, s0  }
0xbb: {  	[sflag:s0] =	ssyncadd.remote.s32 $0x1  }
0xbc: {  	_ =	sfence.sel $0xFFFF  }
0xbd: {  	[dreg:$0x0] =	wrdreg $0xFFFFFFFF;
	(pc) =	sbr.abs _section_cstart, $3  }
0xbe: {  	[dreg:$0x1] =	wrdreg $0xFFFFFFFF  }
0xbf: {  	_ =	task.clear_ibuf [dreg:s5], $0x2FFFF;
	_ =	strace $0x9FFFFFFF  }
0xc0: {  	(tm) =	ssettm $0x7FFFFFFF  }
0xc1: {  	_ =	shalt  }
tec
execute0_lowered:
.L_overlay_start_1:
0x0: {  	(tag) =	ssettag $0x1  }
0x1: {  	s5 =	rddreg [dreg:$0x0];
	s1 =	stileid.u32  }
0x2: {  	s3 =	rddreg [dreg:$0x1];
	s2 =	simm.s32 $0x0;
	s4 =	sshll.u32 s1, $0x3  }
0x3: {  	[smem:$0x7FF] =	sst s2;
	s4 =	sadd.s32 s4, s3  }
0x4: {  	s0 =	rddreg [dreg:$0x2];
	_ =	strace $0x80000047;
	s4 =	sadd.s32 $0x600, s4  }
0x5: {  	[tilespmem:s2], [sflag:$0x2] =	stream.linear.gather [hbm4b:s4+s2], $0x40, $0x38;
	[tilespmem:$0x880] =	vst v63  }
0x6: {  	s4 =	simm.s32 $0x2  }
0x7: {  	_ =	swait.ge [sflag:s4], $0x40  }
0x8: {  	[sflag:s4] =	ssyncset.done $0x0  }
0x9: {  	[sflag:s4] =	ssyncadd.s32 $0xFFFFFFC0  }
0xa: {  	v0 =	vld [tilespmem:$0x0];
	_ =	sdelay $0x4  }
0xb: {  	(v2sf) =	vpush v0, $0x3  }
0xc: {  	(v2sf) =	vpush v0, $0x2;
	_ =	sdelay $0x1  }
0xd: {  	(v2sf) =	vpush v0, $0x0  }
0xe: {  	(v2sf) =	vpush v0, $0xB;
	_ =	sdelay $0x1  }
0xf: {  	(v2sf) =	vpush v0, $0xA  }
0x10: {  	(v2sf) =	vpush v0, $0x8;
	_ =	sdelay $0x5  }
0x11: {  	v63 =	vld [tilespmem:$0x10];
	_ =	sdelay $0x1  }
0x12: {  	s6 =	spop (v2sf)  }
0x13: {  	s6 =	smul.f32 $5.200000000e+01, s6;
	s7 =	spop (v2sf)  }
0x14: {  	s7 =	smul.f32 $5.200000000e+01, s7  }
0x15: {  	(v2sf) =	vpush v63, $0x3;
	s8 =	spop (v2sf);
	s6 =	scvt.f32.s32 s6  }
0x16: {  	s8 =	scvt.f32.s32 s8;
	s9 =	spop (v2sf)  }
0x17: {  	s7 =	scvt.f32.s32 s7;
	s18 =	smul.f32 $5.200000000e+01, s9  }
0x18: {  	(v2sf) =	vpush v63, $0x2;
	s19 =	spop (v2sf);
	s6 =	smul.u32 $0x34, s6;
	s16 =	sshll.u32 s8, $0x8  }
0x19: {  	(v2sf) =	vpush v63, $0x0;
	s8 =	sshll.u32 s8, $0x7;
	s10 =	smul.f32 $5.200000000e+01, s19;
	s11 =	spop (v2sf)  }
0x1a: {  	(v2sf) =	vpush v63, $0xB;
	s17 =	sand.u32 $0x380, s8;
	s8 =	scvt.f32.s32 s18;
	s11 =	scvt.f32.s32 s11  }
0x1b: {  	s6 =	sadd.s32 s7, s6;
	s7 =	sand.u32 $0xFFFFF800, s16;
	s10 =	scvt.f32.s32 s10  }
0x1c: {  	s6 =	sshll.u32 s6, $0xC;
	s8 =	smul.u32 $0x34, s8;
	s21 =	sshll.u32 s11, $0x8  }
0x1d: {  	(v2sf) =	vpush v63, $0xA;
	s22 =	sshll.u32 s11, $0x7;
	s6 =	sadd.s32 s7, s6;
	s7 =	simm.s32 $0x400  }
0x1e: {  	s9 =	sand.u32 $0xFFFFF800, s21;
	s6 =	sor.u32 s17, s6;
	s8 =	sadd.s32 s10, s8  }
0x1f: {  	(v2sf) =	vpush v63, $0x8;
	s23 =	sand.u32 $0x380, s22;
	s6 =	sshrl.u32 s6, $0x3;
	s8 =	sshll.u32 s8, $0xC  }
0x20: {  	v1 =	vld [tilespmem:$0x20];
	s20 =	sadd.s32 s5, s6;
	s6 =	simm.s32 $0x80;
	s8 =	sadd.s32 s9, s8  }
0x21: {  	v2 =	vld [tilespmem:$0x30];
	[tilespmem:s6], [sflag:$0x1] =	stream.strided.gather [hbm4b:s20+s6], $0x100, s7, s6, $0x38  }
0x22: {  	s8 =	sor.u32 s23, s8  }
0x23: {  	s8 =	sshrl.u32 s8, $0x3  }
0x24: {  	s25 =	simm.s32 $0x180;
	s8 =	sadd.s32 s5, s8;
	s24 =	spop (v2sf)  }
0x25: {  	[tilespmem:s25], [sflag:$0x1] =	stream.strided.gather [hbm4b:s8+s6], $0x100, s7, s6, $0x38;
	[tilespmem:$0x880] =	vst v63  }
0x26: {  	(v2sf) =	vpush v1, $0x3;
	s9 =	smul.f32 $5.200000000e+01, s24  }
0x27: {  	s28 =	spop (v2sf)  }
0x28: {  	s29 =	spop (v2sf);
	s26 =	scvt.f32.s32 s9  }
0x29: {  	s9 =	smul.f32 $5.200000000e+01, s28;
	s31 =	spop (v2sf);
	(v2sf) =	vpush v1, $0x2  }
0x2a: {  	s10 =	scvt.f32.s32 s29;
	(v2sf) =	vpush v1, $0x0  }
0x2b: {  	s8 =	smul.u32 $0x34, s26;
	s9 =	scvt.f32.s32 s9  }
0x2c: {  	s11 =	smul.f32 $5.200000000e+01, s31;
	s13 =	spop (v2sf)  }
0x2d: {  	s30 =	sshll.u32 s10, $0x8;
	s10 =	sshll.u32 s10, $0x7;
	(v2sf) =	vpush v1, $0xB;
	s8 =	sadd.s32 s9, s8  }
0x2e: {  	s14 =	spop (v2sf);
	(v2sf) =	vpush v1, $0xA;
	s9 =	sand.u32 $0xFFFFF800, s30;
	s8 =	sshll.u32 s8, $0xC  }
0x2f: {  	s10 =	sand.u32 $0x380, s10;
	s12 =	scvt.f32.s32 s11;
	(v2sf) =	vpush v1, $0x8;
	s8 =	sadd.s32 s9, s8  }
0x30: {  	s8 =	sor.u32 s10, s8;
	s10 =	smul.f32 $5.200000000e+01, s13  }
0x31: {  	s11 =	scvt.f32.s32 s14;
	s9 =	smul.u32 $0x34, s12;
	s8 =	sshrl.u32 s8, $0x3  }
0x32: {  	s12 =	simm.s32 $0x280;
	s8 =	sadd.s32 s5, s8;
	s10 =	scvt.f32.s32 s10  }
0x33: {  	[tilespmem:s12], [sflag:$0x1] =	stream.strided.gather [hbm4b:s8+s6], $0x100, s7, s6, $0x38;
	[tilespmem:$0x880] =	vst v63  }
0x34: {  	s16 =	sshll.u32 s11, $0x8;
	s17 =	sshll.u32 s11, $0x7;
	s15 =	sadd.s32 s10, s9  }
0x35: {  	s9 =	sand.u32 $0xFFFFF800, s16;
	s8 =	sshll.u32 s15, $0xC;
	s19 =	spop (v2sf)  }
0x36: {  	s18 =	sand.u32 $0x380, s17;
	s8 =	sadd.s32 s9, s8;
	s9 =	smul.f32 $5.200000000e+01, s19  }
0x37: {  	s20 =	simm.s32 $0x380;
	s8 =	sor.u32 s18, s8  }
0x38: {  	s8 =	sshrl.u32 s8, $0x3;
	s21 =	scvt.f32.s32 s9;
	s22 =	spop (v2sf)  }
0x39: {  	s8 =	sadd.s32 s5, s8;
	s9 =	smul.f32 $5.200000000e+01, s22;
	s23 =	spop (v2sf)  }
0x3a: {  	(v2sf) =	vpush v2, $0x3;
	[tilespmem:s20], [sflag:$0x1] =	stream.strided.gather [hbm4b:s8+s6], $0x100, s7, s6, $0x38;
	[tilespmem:$0x880] =	vst v63  }
0x3b: {  	(v2sf) =	vpush v2, $0x2;
	s8 =	smul.u32 $0x34, s21;
	s10 =	scvt.f32.s32 s23  }
0x3c: {  	s25 =	spop (v2sf);
	s9 =	scvt.f32.s32 s9  }
0x3d: {  	(v2sf) =	vpush v2, $0x0;
	s11 =	smul.f32 $5.200000000e+01, s25;
	s29 =	spop (v2sf)  }
0x3e: {  	s24 =	sshll.u32 s10, $0x8;
	s10 =	sshll.u32 s10, $0x7;
	s30 =	spop (v2sf)  }
0x3f: {  	(v2sf) =	vpush v2, $0xB;
	s8 =	sadd.s32 s9, s8;
	s9 =	sand.u32 $0xFFFFF800, s24;
	s26 =	sand.u32 $0x380, s10  }
0x40: {  	s28 =	scvt.f32.s32 s11;
	s10 =	smul.f32 $5.200000000e+01, s29;
	s8 =	sshll.u32 s8, $0xC  }
0x41: {  	(v2sf) =	vpush v2, $0xA;
	s11 =	scvt.f32.s32 s30;
	s8 =	sadd.s32 s9, s8  }
0x42: {  	s9 =	smul.u32 $0x34, s28;
	s10 =	scvt.f32.s32 s10;
	s8 =	sor.u32 s26, s8  }
0x43: {  	s31 =	simm.s32 $0x480;
	s8 =	sshrl.u32 s8, $0x3  }
0x44: {  	s9 =	sadd.s32 s10, s9;
	s10 =	sshll.u32 s11, $0x8;
	s8 =	sadd.s32 s5, s8  }
0x45: {  	(v2sf) =	vpush v2, $0x8;
	[tilespmem:s31], [sflag:$0x1] =	stream.strided.gather [hbm4b:s8+s6], $0x100, s7, s6, $0x38;
	[tilespmem:$0x880] =	vst v63  }
0x46: {  	s11 =	sshll.u32 s11, $0x7;
	s8 =	sshll.u32 s9, $0xC;
	s9 =	sand.u32 $0xFFFFF800, s10  }
0x47: {  	s12 =	sand.u32 $0x380, s11;
	s8 =	sadd.s32 s9, s8  }
0x48: {  	s8 =	sor.u32 s12, s8  }
0x49: {  	s16 =	simm.s32 $0x580;
	s8 =	sshrl.u32 s8, $0x3;
	s13 =	spop (v2sf)  }
0x4a: {  	s8 =	sadd.s32 s5, s8;
	s14 =	spop (v2sf);
	s10 =	smul.f32 $5.200000000e+01, s13  }
0x4b: {  	[tilespmem:s16], [sflag:$0x1] =	stream.strided.gather [hbm4b:s8+s6], $0x100, s7, s6, $0x38;
	[tilespmem:$0x880] =	vst v63  }
0x4c: {  	s15 =	spop (v2sf)  }
0x4d: {  	s9 =	smul.f32 $5.200000000e+01, s14;
	s10 =	scvt.f32.s32 s10  }
0x4e: {  	s18 =	scvt.f32.s32 s15;
	s19 =	spop (v2sf)  }
0x4f: {  	s9 =	scvt.f32.s32 s9;
	s17 =	smul.u32 $0x34, s10  }
0x50: {  	s20 =	spop (v2sf)  }
0x51: {  	s11 =	sshll.u32 s18, $0x8;
	s10 =	sshll.u32 s18, $0x7;
	s8 =	sadd.s32 s9, s17  }
0x52: {  	s11 =	sand.u32 $0xFFFFF800, s11;
	s9 =	smul.f32 $5.200000000e+01, s19;
	s8 =	sshll.u32 s8, $0xC  }
0x53: {  	s21 =	smul.f32 $5.200000000e+01, s20;
	s10 =	sand.u32 $0x380, s10;
	s8 =	sadd.s32 s11, s8  }
0x54: {  	s22 =	spop (v2sf);
	s9 =	scvt.f32.s32 s9;
	s8 =	sor.u32 s10, s8  }
0x55: {  	s23 =	simm.s32 $0x680;
	s11 =	scvt.f32.s32 s22;
	s8 =	sshrl.u32 s8, $0x3  }
0x56: {  	s10 =	scvt.f32.s32 s21;
	s9 =	smul.u32 $0x34, s9;
	s8 =	sadd.s32 s5, s8  }
0x57: {  	[tilespmem:s23], [sflag:$0x1] =	stream.strided.gather [hbm4b:s8+s6], $0x100, s7, s6, $0x38;
	[tilespmem:$0x880] =	vst v63  }
0x58: {  	s25 =	sshll.u32 s11, $0x8;
	s24 =	sadd.s32 s10, s9  }
0x59: {  	s26 =	sshll.u32 s11, $0x7;
	s9 =	sand.u32 $0xFFFFF800, s25;
	s8 =	sshll.u32 s24, $0xC  }
0x5a: {  	s28 =	sand.u32 $0x380, s26;
	s8 =	sadd.s32 s9, s8  }
0x5b: {  	s8 =	sor.u32 s28, s8  }
0x5c: {  	s8 =	sshrl.u32 s8, $0x3  }
0x5d: {  	s29 =	simm.s32 $0x780;
	s30 =	simm.s32 $0x1;
	s5 =	sadd.s32 s5, s8  }
0x5e: {  	[tilespmem:s29], [sflag:$0x1] =	stream.strided.gather [hbm4b:s5+s6], $0x100, s7, s6, $0x38;
	[tilespmem:$0x880] =	vst v63  }
0x5f: {  	_ =	swait.ge [sflag:s30], $0x100  }
0x60: {  	[sflag:s30] =	ssyncset.done $0x0  }
0x61: {  	[sflag:s30] =	ssyncadd.s32 $0xFFFFFF00  }
0x62: {  	_ =	swait.ge [sflag:s30], $0x100  }
0x63: {  	[sflag:s30] =	ssyncset.done $0x0  }
0x64: {  	[sflag:s30] =	ssyncadd.s32 $0xFFFFFF00  }
0x65: {  	_ =	swait.ge [sflag:s30], $0x100  }
0x66: {  	[sflag:s30] =	ssyncset.done $0x0  }
0x67: {  	[sflag:s30] =	ssyncadd.s32 $0xFFFFFF00  }
0x68: {  	_ =	swait.ge [sflag:s30], $0x100  }
0x69: {  	[sflag:s30] =	ssyncset.done $0x0  }
0x6a: {  	[sflag:s30] =	ssyncadd.s32 $0xFFFFFF00  }
0x6b: {  	_ =	swait.ge [sflag:s30], $0x100  }
0x6c: {  	[sflag:s30] =	ssyncset.done $0x0  }
0x6d: {  	[sflag:s30] =	ssyncadd.s32 $0xFFFFFF00  }
0x6e: {  	_ =	swait.ge [sflag:s30], $0x100  }
0x6f: {  	[sflag:s30] =	ssyncset.done $0x0  }
0x70: {  	[sflag:s30] =	ssyncadd.s32 $0xFFFFFF00  }
0x71: {  	_ =	swait.ge [sflag:s30], $0x100  }
0x72: {  	[sflag:s30] =	ssyncset.done $0x0  }
0x73: {  	[sflag:s30] =	ssyncadd.s32 $0xFFFFFF00  }
0x74: {  	s31 =	sshll.u32 s1, $0x8;
	_ =	swait.ge [sflag:s30], $0x100  }
0x75: {  	s3 =	sadd.s32 s31, s3;
	[sflag:s30] =	ssyncset.done $0x0  }
0x76: {  	s3 =	sadd.s32 $0x800, s3;
	[sflag:s30] =	ssyncadd.s32 $0xFFFFFF00  }
0x77: {  	[hbm4b:s3+s2] =	stream.linear.scatter [tilespmem:s6], [sflag:$0x2], $0x800, $0x38;
	[tilespmem:$0x880] =	vst v63  }
0x78: {  	_ =	swait.ge [sflag:s4], $0x800  }
0x79: {  	[sflag:s4] =	ssyncset.done $0x0  }
0x7a: {  	[sflag:s4] =	ssyncadd.s32 $0xFFFFF800  }
0x7b: {  	_ =	sfence.sel $0x180000  }
0x7c: {  	[bflag:$0x0] =	sbarrier.arrive $0xFFFF  }
0x7d: {  	p0 =	sne.s32 s1, $0x0;
	_ =	strace $0x90000047  }
0x7e: {  	s0 =	sadd.s32 @!p0 $0x100000, s0;
	[bflag:$0x2] =	sbarrier.arrive $0xFFFF  }
0x7f: {  	[sflag:s0] =	ssyncadd.tile.s32 @!p0 $0x1;
	_ =	shalt  }
.Lfunc_end2:
_tile_overlayer_lowered:
.L_overlay_start_2:
0x80: {  	(tag) =	ssettag $0x2  }
0x81: {  	s0 =	rddreg [dreg:$0x0];
	s2 =	stileid.u32  }
0x82: {  	s1 =	rddreg [dreg:$0x1];
	p0 =	sne.s32 s2, $0x0  }
0x83: {  	s3 =	rddreg [dreg:$0x2];
	[bflag:$0x3] =	sbarrier.arrive $0xFFFF;
	s2 =	simm.s32 @!p0 $0x1C02  }
0x84: {  	[timem:s3], [sflag:s2] =	dma.local @!p0 [hbm:s0], s1  }
0x85: {  	s0 =	simm.s32 @!p0 $0x2  }
0x86: {  	_ =	swait.ge @!p0 [sflag:s0], s1  }
0x87: {  	s1 =	ssub.s32 @!p0 $0x0, s1;
	[sflag:s0] =	ssyncset.done @!p0 $0x0  }
0x88: {  	[sflag:s0] =	ssyncadd.s32 @!p0 s1  }
0x89: {  	[bflag:$0x3] =	sbarrier.arrive $0xFFFF  }
0x8a: {  	_ =	shalt  }

</sc_bundles>
